<compile_context>
chip_gen: v7x
topology: tpu7x:2x2x1
jax: 0.10.2.dev20260603
libtpu: 0.0.44.dev20260713+nightly
codegen_flags: <defaults>
</compile_context>

<pallas_src>
import functools

import jax
import jax.numpy as jnp
from jax import lax
from jax.experimental import pallas as pl
from jax.experimental.pallas import tpu as pltpu
from jax.experimental.pallas import tpu_sc as plsc

N = 10000
E = 160000
D_IN = 256
D_H = 256
D_OUT = 128
HALF = 128

NC = 2
NS = 16
CH = 128
EP = 163840
RPC = EP // CH
L1_N = RPC // NS
L2_N = RPC // (NC * NS)
DEG_N = RPC // NS
NPAD = 16
ZROWS = 640
NACC = NS * ZROWS
OR_LO = 624
OR_HI = N - 15 * OR_LO

_MESH = plsc.VectorSubcoreMesh(core_axis_name="c", subcore_axis_name="s",
                               num_cores=NC, num_subcores=NS)


def _epilogue(s, acc, out):
    @pl.when(s < 15)
    def _lo():
        r0 = pl.multiple_of(s * OR_LO, 8)
        pltpu.sync_copy(acc.at[pl.ds(r0, OR_LO)], out.at[pl.ds(r0, OR_LO)])

    @pl.when(s == 15)
    def _hi():
        r0 = 15 * OR_LO
        pltpu.sync_copy(acc.at[pl.ds(r0, OR_HI)], out.at[pl.ds(r0, OR_HI)])


HR = NACC // 128


def _degrees_body(src_hbm, dst_hbm, z_hbm, out_hbm,
                  idx, hist, rowid, acc):
    c = lax.axis_index("c")
    s = lax.axis_index("s")

    base = pl.multiple_of(s * DEG_N, 8)

    @pl.when(c == 0)
    def _ld0():
        pltpu.sync_copy(src_hbm.at[pl.ds(base, DEG_N)], idx)

    @pl.when(c == 1)
    def _ld1():
        pltpu.sync_copy(dst_hbm.at[pl.ds(base, DEG_N)], idx)

    pltpu.sync_copy(z_hbm.at[pl.ds(0, HR)], hist)

    @pl.when(s == 0)
    def _zero_acc():
        pltpu.sync_copy(z_hbm.at[pl.ds(0, HR)], acc)

    iota16 = lax.iota(jnp.int32, 16)
    for k in range(HR // 16):
        rowid[pl.ds(k * 16, 16)] = iota16 + (k * 16)

    ones = jnp.ones((16,), jnp.float32)

    def body(j, carry):
        def inner(k, carry2):
            iv = idx[j, pl.ds(pl.multiple_of(k * 16, 16), 16)]
            plsc.addupdate_scatter(
                hist, [lax.shift_right_logical(iv, 7),
                       lax.bitwise_and(iv, 127)], ones)
            return carry2

        lax.fori_loop(0, CH // 16, inner, 0, unroll=False)
        return carry

    lax.fori_loop(0, DEG_N, body, 0, unroll=False)
    plsc.subcore_barrier()
    pltpu.sync_copy(hist, acc.at[rowid], add=True)
    plsc.subcore_barrier()

    @pl.when(s == 0)
    def _wr():
        pltpu.sync_copy(acc, out_hbm.at[c])


_degrees = functools.partial(
    pl.kernel,
    mesh=_MESH,
    out_type=jax.ShapeDtypeStruct((2, HR, 128), jnp.float32),
    scratch_types=[
        pltpu.VMEM((DEG_N, CH), jnp.int32),
        pltpu.VMEM((HR, 128), jnp.float32),
        pltpu.VMEM((HR,), jnp.int32),
        pltpu.VMEM_SHARED((HR, 128), jnp.float32),
    ],
    compiler_params=pltpu.CompilerParams(needs_layout_passes=False),
)(_degrees_body)


PH = 40


def _make_agg_body(col_split):
    phases = (L1_N if col_split else L2_N) // PH

    def agg(src_hbm, dst_hbm, tbl_hbm, z_hbm, out_hbm,
            sidx, didx, rowbuf, acc, gsem, ssem):
        c = lax.axis_index("c")
        s = lax.axis_index("s")

        z0 = pl.multiple_of(s * ZROWS, 8)
        pltpu.sync_copy(z_hbm, acc.at[pl.ds(z0, ZROWS)])
        if col_split:
            base = s * L1_N
        else:
            base = c * (RPC // NC) + s * L2_N
        plsc.subcore_barrier()

        def tbl():
            return tbl_hbm.at[c] if col_split else tbl_hbm

        for p in range(phases):
            bp = pl.multiple_of(base + p * PH, 8)
            pltpu.sync_copy(src_hbm.at[pl.ds(bp, PH)], sidx)
            pltpu.sync_copy(dst_hbm.at[pl.ds(bp, PH)], didx)

            pltpu.async_copy(tbl().at[sidx.at[0]], rowbuf.at[0], gsem)

            def body(j, carry):
                b = lax.rem(j, 2)
                pltpu.make_async_copy(tbl().at[sidx.at[j]], rowbuf.at[b],
                                      gsem).wait()

                @pl.when(j >= 1)
                def _drain_prev():
                    pltpu.make_async_copy(rowbuf.at[1 - b],
                                          acc.at[didx.at[j]], ssem).wait()

                @pl.when(j + 1 < PH)
                def _fire_next_gather():
                    pltpu.async_copy(tbl().at[sidx.at[j + 1]],
                                     rowbuf.at[1 - b], gsem)

                pltpu.async_copy(rowbuf.at[b], acc.at[didx.at[j]], ssem,
                                 add=True)
                return carry

            lax.fori_loop(0, PH, body, 0, unroll=False)
            pltpu.make_async_copy(rowbuf.at[(PH - 1) % 2],
                                  acc.at[didx.at[PH - 1]], ssem).wait()

        plsc.subcore_barrier()
        _epilogue(s, acc, out_hbm.at[c])

    return agg


def _make_agg(col_split):
    return functools.partial(
        pl.kernel,
        mesh=_MESH,
        out_type=jax.ShapeDtypeStruct((2, N, HALF), jnp.float32),
        scratch_types=[
            pltpu.VMEM((PH, CH), jnp.int32),
            pltpu.VMEM((PH, CH), jnp.int32),
            pltpu.VMEM((2, CH, HALF), jnp.float32),
            pltpu.VMEM_SHARED((NACC, HALF), jnp.float32),
            pltpu.SemaphoreType.DMA,
            pltpu.SemaphoreType.DMA,
        ],
    )(_make_agg_body(col_split))


_agg_l1 = _make_agg(col_split=True)
_agg_l2 = _make_agg(col_split=False)


_NB = 1000


_HB = HR
_NPB = _HB * 128


def _normprep_body(degs_ref, out_ref):
    lane = lax.broadcasted_iota(jnp.int32, (_NPB, 128), 1)
    sub = lax.broadcasted_iota(jnp.int32, (_NPB, 128), 0)
    diag = lane == lax.rem(sub, 128)
    for a in range(2):
        d = degs_ref[a]
        nrm = jnp.where(d > 0, lax.rsqrt(jnp.maximum(d, 1e-12)), 0.0)
        rep = jnp.broadcast_to(nrm[:, None, :], (_HB, 128, 128))
        rep = rep.reshape(_NPB, 128)
        out_ref[a] = jnp.sum(jnp.where(diag, rep, 0.0), axis=1,
                             keepdims=True)


def _normprep(degs):
    return pl.pallas_call(
        _normprep_body,
        grid=(HR // _HB,),
        in_specs=[pl.BlockSpec((2, _HB, 128), lambda i: (0, 0, 0))],
        out_specs=pl.BlockSpec((2, _NPB, 1), lambda i: (0, 0, 0)),
        out_shape=jax.ShapeDtypeStruct((2, NACC, 1), jnp.float32),
    )(degs)


def _tc_pre_body(x_ref, w1_ref, nrm_ref, out_ref):
    ns = nrm_ref[0]
    y = jnp.dot(x_ref[...], w1_ref[...], preferred_element_type=jnp.float32)
    y = y * ns
    out_ref[0] = y[:, :HALF]
    out_ref[1] = y[:, HALF:]


def _tc_mid_body(agg_ref, nrm_ref, b1_ref, w2_ref, out_ref):
    ns = nrm_ref[0]
    nd = nrm_ref[1]
    h = jnp.concatenate([agg_ref[0], agg_ref[1]], axis=-1)
    h = jnp.maximum(h * nd + b1_ref[...], 0.0)
    y = jnp.dot(h, w2_ref[...], preferred_element_type=jnp.float32)
    out_ref[...] = y * ns


def _tc_post_body(parts_ref, nrm_ref, b2_ref, out_ref):
    nd = nrm_ref[1]
    out_ref[...] = (parts_ref[0] + parts_ref[1]) * nd + b2_ref[...]


def _tc_pre(x, w1, nrm):
    return pl.pallas_call(
        _tc_pre_body,
        grid=(N // _NB,),
        in_specs=[
            pl.BlockSpec((_NB, D_IN), lambda i: (i, 0)),
            pl.BlockSpec((D_IN, D_H), lambda i: (0, 0)),
            pl.BlockSpec((2, _NB, 1), lambda i: (0, i, 0)),
        ],
        out_specs=pl.BlockSpec((2, _NB, HALF), lambda i: (0, i, 0)),
        out_shape=jax.ShapeDtypeStruct((2, N, HALF), jnp.float32),
    )(x, w1, nrm)


def _tc_mid(agg1, degs, b1, w2):
    return pl.pallas_call(
        _tc_mid_body,
        grid=(N // _NB,),
        in_specs=[
            pl.BlockSpec((2, _NB, HALF), lambda i: (0, i, 0)),
            pl.BlockSpec((2, _NB, 1), lambda i: (0, i, 0)),
            pl.BlockSpec((1, D_H), lambda i: (0, 0)),
            pl.BlockSpec((D_H, D_OUT), lambda i: (0, 0)),
        ],
        out_specs=pl.BlockSpec((_NB, D_OUT), lambda i: (i, 0)),
        out_shape=jax.ShapeDtypeStruct((N, D_OUT), jnp.float32),
    )(agg1, degs, b1, w2)


def _tc_post(parts, degs, b2):
    return pl.pallas_call(
        _tc_post_body,
        grid=(N // _NB,),
        in_specs=[
            pl.BlockSpec((2, _NB, HALF), lambda i: (0, i, 0)),
            pl.BlockSpec((2, _NB, 1), lambda i: (0, i, 0)),
            pl.BlockSpec((1, D_OUT), lambda i: (0, 0)),
        ],
        out_specs=pl.BlockSpec((_NB, D_OUT), lambda i: (i, 0)),
        out_shape=jax.ShapeDtypeStruct((N, D_OUT), jnp.float32),
    )(parts, degs, b2)


def kernel(features, edge_index, W1, b1, W2, b2):
    src = edge_index[0]
    dst = edge_index[1]
    npad = EP - E
    pad_dummy = N + (jnp.arange(npad, dtype=jnp.int32) % NPAD)
    pad_spread = jnp.arange(npad, dtype=jnp.int32) % N
    src_p = jnp.concatenate(
        [src.astype(jnp.int32), pad_spread]).reshape(RPC, CH)
    srcd_p = jnp.concatenate([src.astype(jnp.int32), pad_dummy]).reshape(RPC, CH)
    dst_p = jnp.concatenate([dst.astype(jnp.int32), pad_dummy]).reshape(RPC, CH)

    zrows = jnp.zeros((ZROWS, HALF), jnp.float32)

    degs = _degrees(srcd_p, dst_p, zrows)
    nrm = _normprep(degs)
    hw1 = _tc_pre(features, W1, nrm)
    agg1 = _agg_l1(src_p, dst_p, hw1, zrows)
    hw2 = _tc_mid(agg1, nrm, b1.reshape(1, D_H), W2)
    parts = _agg_l2(src_p, dst_p, hw2, zrows)
    out = _tc_post(parts, nrm, b2.reshape(1, D_OUT))
    return out

# --- scband reference (transcript-rebuilt; emitter-appended) ---
"""Pipeline reference for scband-basic-gnn-3015067041849 (READ-ONLY COPY).

The authoritative reference and input builder live on the scoring server;
editing this copy changes nothing except your own understanding.
"""

import jax, jax.numpy as jnp
import numpy as np

N = 10000
E = 160000
D_IN = 256
D_H = 256
D_OUT = 128


def setup_inputs(seed: int = 0) -> dict:
    key = jax.random.key(seed)
    k1, k2, k3, k4 = jax.random.split(key, 4)
    features = jax.random.normal(k1, (N, D_IN), dtype=jnp.float32)
    edge_index = jax.random.randint(k2, (2, E), 0, N)
    W1 = jax.random.normal(k3, (D_IN, D_H), dtype=jnp.float32) * (1.0 / np.sqrt(D_IN))
    b1 = jnp.zeros((D_H,), dtype=jnp.float32)
    W2 = jax.random.normal(k4, (D_H, D_OUT), dtype=jnp.float32) * (1.0 / np.sqrt(D_H))
    b2 = jnp.zeros((D_OUT,), dtype=jnp.float32)
    return {"features": features, "edge_index": edge_index, "W1": W1, "b1": b1, "W2": W2, "b2": b2}


def _graph_conv(x, W, b, src, dst, n):
    # DGL GraphConv with norm='both': D_dst^{-1/2} A D_src^{-1/2} X W + b
    ones = jnp.ones((src.shape[0],), dtype=x.dtype)
    out_deg = jax.ops.segment_sum(ones, src, num_segments=n)
    in_deg = jax.ops.segment_sum(ones, dst, num_segments=n)
    norm_src = jnp.where(out_deg > 0, 1.0 / jnp.sqrt(jnp.maximum(out_deg, 1e-12)), 0.0)
    norm_dst = jnp.where(in_deg > 0, 1.0 / jnp.sqrt(jnp.maximum(in_deg, 1e-12)), 0.0)
    h = x * norm_src[:, None]
    h = h @ W
    msgs = jnp.take(h, src, axis=0)
    agg = jax.ops.segment_sum(msgs, dst, num_segments=n)
    return agg * norm_dst[:, None] + b


def reference(features, edge_index, W1, b1, W2, b2):
    src = edge_index[0]
    dst = edge_index[1]
    h = jax.nn.relu(_graph_conv(features, W1, b1, src, dst, N))
    out = _graph_conv(h, W2, b2, src, dst, N)
    return out

if __name__ == "__main__":
    import jax
    _d = setup_inputs()
    print(jax.jit(kernel)(*tuple(_d.values())))

</pallas_src>

<mosaic_0001>
#map = affine_map<(d0, d1) -> (0, 0)>
#map1 = affine_map<(d0, d1) -> (0, 0, 0)>
module attributes {stable_mosaic.version = 14 : i64} {
  func.func @_degrees_body(%arg0: i32, %arg1: i32, %arg2: memref<1280x128xi32, #tpu.memory_space<hbm>>, %arg3: memref<1280x128xi32, #tpu.memory_space<hbm>>, %arg4: memref<640x128xf32, #tpu.memory_space<hbm>>, %arg5: memref<2x80x128xf32, #tpu.memory_space<hbm>>, %arg6: memref<80x128xi32, #tpu.memory_space<vmem>>, %arg7: memref<80x128xf32, #tpu.memory_space<vmem>>, %arg8: memref<80xi32, #tpu.memory_space<vmem>>, %arg9: memref<80x128xf32, #tpu.memory_space<vmem_shared>>) attributes {dimension_semantics = [#tpu.dimension_semantics<core_parallel>, #tpu.dimension_semantics<subcore_parallel>], iteration_bounds = array<i64: 2, 16>, scalar_prefetch = 0 : i64, scratch_operands = 4 : i64, tpu.core_type = #tpu.core_type<sc_vector_subcore>, window_params = [{transform_indices = #map}, {transform_indices = #map}, {transform_indices = #map}, {transform_indices = #map1}]} {
    %mul3A = arith.constant 80 : i32
    %mul3A_0 = arith.muli %arg1, %mul3A : i32
    %multiple_of3A = tpu.assume_multiple %mul3A_0, 8 : i32
    %eq3A = arith.constant 0 : i32
    %eq3A_1 = arith.cmpi eq, %arg0, %eq3A : i32
    %convert_element_type3A = arith.extui %eq3A_1 : i1 to i32
    %cond3A = arith.constant 0 : i32
    %cond3A_2 = arith.cmpi ne, %convert_element_type3A, %cond3A : i32
    scf.if %cond3A_2 {
      "tpu.region"() ({
        %run_scoped3A = tpu.sem_alloc : memref<!tpu.dma_semaphore, #tpu.memory_space<semaphore_mem>>
        %dma_start3A = arith.constant 0 : i32
        %dma_start3A_48 = tpu.memref_slice %arg2[%multiple_of3A, %dma_start3A] : memref<1280x128xi32, #tpu.memory_space<hbm>> -> memref<80x128xi32, #tpu.memory_space<hbm>>
        %dma_start3A_49 = arith.constant 0 : i32
        %dma_start3A_50 = tpu.memref_slice %arg2[%multiple_of3A, %dma_start3A_49] : memref<1280x128xi32, #tpu.memory_space<hbm>> -> memref<80x128xi32, #tpu.memory_space<hbm>>
        tpu.enqueue_dma source(%dma_start3A_50 : memref<80x128xi32, #tpu.memory_space<hbm>>) target(%arg6 : memref<80x128xi32, #tpu.memory_space<vmem>>) target_semaphore(%run_scoped3A : memref<!tpu.dma_semaphore, #tpu.memory_space<semaphore_mem>>)
        %dma_wait3A = arith.constant 0 : i32
        %dma_wait3A_51 = tpu.memref_slice %arg2[%multiple_of3A, %dma_wait3A] : memref<1280x128xi32, #tpu.memory_space<hbm>> -> memref<80x128xi32, #tpu.memory_space<hbm>>
        %dma_wait3A_52 = arith.constant 0 : i32
        %dma_wait3A_53 = tpu.memref_slice %arg2[%multiple_of3A, %dma_wait3A_52] : memref<1280x128xi32, #tpu.memory_space<hbm>> -> memref<80x128xi32, #tpu.memory_space<hbm>>
        tpu.wait_dma2 semaphore(%run_scoped3A : memref<!tpu.dma_semaphore, #tpu.memory_space<semaphore_mem>>) src(%dma_wait3A_53 : memref<80x128xi32, #tpu.memory_space<hbm>>) dst(%arg6 : memref<80x128xi32, #tpu.memory_space<vmem>>)
        tpu.yield
      }) : () -> ()
    } else {
    }
    %eq3A_3 = arith.constant 1 : i32
    %eq3A_4 = arith.cmpi eq, %arg0, %eq3A_3 : i32
    %convert_element_type3A_5 = arith.extui %eq3A_4 : i1 to i32
    %cond3A_6 = arith.constant 0 : i32
    %cond3A_7 = arith.cmpi ne, %convert_element_type3A_5, %cond3A_6 : i32
    scf.if %cond3A_7 {
      "tpu.region"() ({
        %run_scoped3A = tpu.sem_alloc : memref<!tpu.dma_semaphore, #tpu.memory_space<semaphore_mem>>
        %dma_start3A = arith.constant 0 : i32
        %dma_start3A_48 = tpu.memref_slice %arg3[%multiple_of3A, %dma_start3A] : memref<1280x128xi32, #tpu.memory_space<hbm>> -> memref<80x128xi32, #tpu.memory_space<hbm>>
        %dma_start3A_49 = arith.constant 0 : i32
        %dma_start3A_50 = tpu.memref_slice %arg3[%multiple_of3A, %dma_start3A_49] : memref<1280x128xi32, #tpu.memory_space<hbm>> -> memref<80x128xi32, #tpu.memory_space<hbm>>
        tpu.enqueue_dma source(%dma_start3A_50 : memref<80x128xi32, #tpu.memory_space<hbm>>) target(%arg6 : memref<80x128xi32, #tpu.memory_space<vmem>>) target_semaphore(%run_scoped3A : memref<!tpu.dma_semaphore, #tpu.memory_space<semaphore_mem>>)
        %dma_wait3A = arith.constant 0 : i32
        %dma_wait3A_51 = tpu.memref_slice %arg3[%multiple_of3A, %dma_wait3A] : memref<1280x128xi32, #tpu.memory_space<hbm>> -> memref<80x128xi32, #tpu.memory_space<hbm>>
        %dma_wait3A_52 = arith.constant 0 : i32
        %dma_wait3A_53 = tpu.memref_slice %arg3[%multiple_of3A, %dma_wait3A_52] : memref<1280x128xi32, #tpu.memory_space<hbm>> -> memref<80x128xi32, #tpu.memory_space<hbm>>
        tpu.wait_dma2 semaphore(%run_scoped3A : memref<!tpu.dma_semaphore, #tpu.memory_space<semaphore_mem>>) src(%dma_wait3A_53 : memref<80x128xi32, #tpu.memory_space<hbm>>) dst(%arg6 : memref<80x128xi32, #tpu.memory_space<vmem>>)
        tpu.yield
      }) : () -> ()
    } else {
    }
    "tpu.region"() ({
      %run_scoped3A = tpu.sem_alloc : memref<!tpu.dma_semaphore, #tpu.memory_space<semaphore_mem>>
      %dma_start3A = arith.constant 0 : i32
      %dma_start3A_48 = arith.constant 0 : i32
      %dma_start3A_49 = tpu.memref_slice %arg4[%dma_start3A, %dma_start3A_48] : memref<640x128xf32, #tpu.memory_space<hbm>> -> memref<80x128xf32, #tpu.memory_space<hbm>>
      %dma_start3A_50 = arith.constant 0 : i32
      %dma_start3A_51 = arith.constant 0 : i32
      %dma_start3A_52 = tpu.memref_slice %arg4[%dma_start3A_50, %dma_start3A_51] : memref<640x128xf32, #tpu.memory_space<hbm>> -> memref<80x128xf32, #tpu.memory_space<hbm>>
      tpu.enqueue_dma source(%dma_start3A_52 : memref<80x128xf32, #tpu.memory_space<hbm>>) target(%arg7 : memref<80x128xf32, #tpu.memory_space<vmem>>) target_semaphore(%run_scoped3A : memref<!tpu.dma_semaphore, #tpu.memory_space<semaphore_mem>>)
      %dma_wait3A = arith.constant 0 : i32
      %dma_wait3A_53 = arith.constant 0 : i32
      %dma_wait3A_54 = tpu.memref_slice %arg4[%dma_wait3A, %dma_wait3A_53] : memref<640x128xf32, #tpu.memory_space<hbm>> -> memref<80x128xf32, #tpu.memory_space<hbm>>
      %dma_wait3A_55 = arith.constant 0 : i32
      %dma_wait3A_56 = arith.constant 0 : i32
      %dma_wait3A_57 = tpu.memref_slice %arg4[%dma_wait3A_55, %dma_wait3A_56] : memref<640x128xf32, #tpu.memory_space<hbm>> -> memref<80x128xf32, #tpu.memory_space<hbm>>
      tpu.wait_dma2 semaphore(%run_scoped3A : memref<!tpu.dma_semaphore, #tpu.memory_space<semaphore_mem>>) src(%dma_wait3A_57 : memref<80x128xf32, #tpu.memory_space<hbm>>) dst(%arg7 : memref<80x128xf32, #tpu.memory_space<vmem>>)
      tpu.yield
    }) : () -> ()
    %eq3A_8 = arith.constant 0 : i32
    %eq3A_9 = arith.cmpi eq, %arg1, %eq3A_8 : i32
    %convert_element_type3A_10 = arith.extui %eq3A_9 : i1 to i32
    %cond3A_11 = arith.constant 0 : i32
    %cond3A_12 = arith.cmpi ne, %convert_element_type3A_10, %cond3A_11 : i32
    scf.if %cond3A_12 {
      "tpu.region"() ({
        %run_scoped3A = tpu.sem_alloc : memref<!tpu.dma_semaphore, #tpu.memory_space<semaphore_mem>>
        %dma_start3A = arith.constant 0 : i32
        %dma_start3A_48 = arith.constant 0 : i32
        %dma_start3A_49 = tpu.memref_slice %arg4[%dma_start3A, %dma_start3A_48] : memref<640x128xf32, #tpu.memory_space<hbm>> -> memref<80x128xf32, #tpu.memory_space<hbm>>
        tpu.enqueue_dma source(%dma_start3A_49 : memref<80x128xf32, #tpu.memory_space<hbm>>) target(%arg9 : memref<80x128xf32, #tpu.memory_space<vmem_shared>>) target_semaphore(%run_scoped3A : memref<!tpu.dma_semaphore, #tpu.memory_space<semaphore_mem>>)
        %dma_wait3A = arith.constant 0 : i32
        %dma_wait3A_50 = arith.constant 0 : i32
        %dma_wait3A_51 = tpu.memref_slice %arg4[%dma_wait3A, %dma_wait3A_50] : memref<640x128xf32, #tpu.memory_space<hbm>> -> memref<80x128xf32, #tpu.memory_space<hbm>>
        tpu.wait_dma2 semaphore(%run_scoped3A : memref<!tpu.dma_semaphore, #tpu.memory_space<semaphore_mem>>) src(%dma_wait3A_51 : memref<80x128xf32, #tpu.memory_space<hbm>>) dst(%arg9 : memref<80x128xf32, #tpu.memory_space<vmem_shared>>)
        tpu.yield
      }) : () -> ()
    } else {
    }
    %iota3A = tpu.iota {dimensions = array<i32: 0>} : vector<16xi32>
    %add3A = arith.constant 0 : i32
    %add3A_13 = vector.broadcast %add3A : i32 to vector<16xi32>
    %add3A_14 = arith.addi %iota3A, %add3A_13 : vector<16xi32>
    %swap3A = arith.constant 0 : index
    %swap3A_15 = tpu.vector_load %arg8[%swap3A] {strides = array<i32>} : memref<80xi32, #tpu.memory_space<vmem>>, vector<16xi32>,
    tpu.vector_store %arg8[%swap3A], %add3A_14 {strides = array<i32>} : memref<80xi32, #tpu.memory_space<vmem>>, vector<16xi32>,
    %add3A_16 = arith.constant 16 : i32
    %add3A_17 = vector.broadcast %add3A_16 : i32 to vector<16xi32>
    %add3A_18 = arith.addi %iota3A, %add3A_17 : vector<16xi32>
    %swap3A_19 = arith.constant 16 : index
    %swap3A_20 = tpu.vector_load %arg8[%swap3A_19] {strides = array<i32>} : memref<80xi32, #tpu.memory_space<vmem>>, vector<16xi32>,
    tpu.vector_store %arg8[%swap3A_19], %add3A_18 {strides = array<i32>} : memref<80xi32, #tpu.memory_space<vmem>>, vector<16xi32>,
    %add3A_21 = arith.constant 32 : i32
    %add3A_22 = vector.broadcast %add3A_21 : i32 to vector<16xi32>
    %add3A_23 = arith.addi %iota3A, %add3A_22 : vector<16xi32>
    %swap3A_24 = arith.constant 32 : index
    %swap3A_25 = tpu.vector_load %arg8[%swap3A_24] {strides = array<i32>} : memref<80xi32, #tpu.memory_space<vmem>>, vector<16xi32>,
    tpu.vector_store %arg8[%swap3A_24], %add3A_23 {strides = array<i32>} : memref<80xi32, #tpu.memory_space<vmem>>, vector<16xi32>,
    %add3A_26 = arith.constant 48 : i32
    %add3A_27 = vector.broadcast %add3A_26 : i32 to vector<16xi32>
    %add3A_28 = arith.addi %iota3A, %add3A_27 : vector<16xi32>
    %swap3A_29 = arith.constant 48 : index
    %swap3A_30 = tpu.vector_load %arg8[%swap3A_29] {strides = array<i32>} : memref<80xi32, #tpu.memory_space<vmem>>, vector<16xi32>,
    tpu.vector_store %arg8[%swap3A_29], %add3A_28 {strides = array<i32>} : memref<80xi32, #tpu.memory_space<vmem>>, vector<16xi32>,
    %add3A_31 = arith.constant 64 : i32
    %add3A_32 = vector.broadcast %add3A_31 : i32 to vector<16xi32>
    %add3A_33 = arith.addi %iota3A, %add3A_32 : vector<16xi32>
    %swap3A_34 = arith.constant 64 : index
    %swap3A_35 = tpu.vector_load %arg8[%swap3A_34] {strides = array<i32>} : memref<80xi32, #tpu.memory_space<vmem>>, vector<16xi32>,
    tpu.vector_store %arg8[%swap3A_34], %add3A_33 {strides = array<i32>} : memref<80xi32, #tpu.memory_space<vmem>>, vector<16xi32>,
    %broadcast_in_dim3A = arith.constant 1.000000e+00 : f32
    %broadcast_in_dim3A_36 = vector.broadcast %broadcast_in_dim3A : f32 to vector<16xf32>
    %scan3A = arith.constant 0 : i32
    %scan3A_37 = arith.constant 0 : i32
    %scan3A_38 = arith.constant 80 : i32
    %scan3A_39 = arith.addi %scan3A_37, %scan3A_38 : i32
    %scan3A_40 = arith.constant 1 : i32
    scf.for %scan3A_48 = %scan3A_37 to %scan3A_39 step %scan3A_40  : i32 {
      %scan3A_49 = arith.constant 0 : i32
      %scan3A_50 = arith.constant 0 : i32
      %scan3A_51 = arith.constant 8 : i32
      %scan3A_52 = arith.addi %scan3A_50, %scan3A_51 : i32
      %scan3A_53 = arith.constant 1 : i32
      scf.for %scan3A_55 = %scan3A_50 to %scan3A_52 step %scan3A_53  : i32 {
        %mul3A_56 = arith.constant 16 : i32
        %mul3A_57 = arith.muli %scan3A_55, %mul3A_56 : i32
        %multiple_of3A_58 = tpu.assume_multiple %mul3A_57, 16 : i32
        %get3A = arith.index_cast %scan3A_48 : i32 to index
        %get3A_59 = arith.index_cast %multiple_of3A_58 : i32 to index
        %get3A_60 = tpu.vector_load %arg6[%get3A, %get3A_59] {strides = array<i32>} : memref<80x128xi32, #tpu.memory_space<vmem>>, vector<16xi32>,
        %shift_right_logical3A = arith.constant 7 : i32
        %shift_right_logical3A_61 = vector.broadcast %shift_right_logical3A : i32 to vector<16xi32>
        %shift_right_logical3A_62 = arith.shrui %get3A_60, %shift_right_logical3A_61 : vector<16xi32>
        %and3A = arith.constant 127 : i32
        %and3A_63 = vector.broadcast %and3A : i32 to vector<16xi32>
        %and3A_64 = arith.andi %get3A_60, %and3A_63 : vector<16xi32>
        tpu.vector_store_idx %arg7[%shift_right_logical3A_62, %and3A_64], %broadcast_in_dim3A_36 {add = true} : memref<80x128xf32, #tpu.memory_space<vmem>>[vector<16xi32>, vector<16xi32>], vector<16xf32>,
      }
      %scan3A_54 = arith.constant 8 : i32
    }
    %scan3A_41 = arith.constant 80 : i32
    %barrier3A = arith.constant 0 : index
    tpu.barrier barrier_id(%barrier3A)
    "tpu.region"() ({
      %run_scoped3A = tpu.sem_alloc : memref<!tpu.dma_semaphore, #tpu.memory_space<semaphore_mem>>
      %dma_start3A = arith.constant 0 : i32
      %dma_start3A_48 = arith.constant 0 : i32
      %dma_start3A_49 = tpu.memref_slice %arg9[%dma_start3A, %dma_start3A_48] : memref<80x128xf32, #tpu.memory_space<vmem_shared>> -> memref<80x128xf32, #tpu.memory_space<vmem_shared>>
      tpu.enqueue_indirect_dma source(%arg7 : memref<80x128xf32, #tpu.memory_space<vmem>>) target(%dma_start3A_49 : memref<80x128xf32, #tpu.memory_space<vmem_shared>>) offsets(%arg8 : memref<80xi32, #tpu.memory_space<vmem>>) semaphore(%run_scoped3A : memref<!tpu.dma_semaphore, #tpu.memory_space<semaphore_mem>>) {add = true}
      %dma_wait3A = arith.constant 0 : i32
      %dma_wait3A_50 = arith.constant 0 : i32
      %dma_wait3A_51 = tpu.memref_slice %arg9[%dma_wait3A, %dma_wait3A_50] : memref<80x128xf32, #tpu.memory_space<vmem_shared>> -> memref<80x128xf32, #tpu.memory_space<vmem_shared>>
      tpu.wait_indirect_dma semaphore(%run_scoped3A : memref<!tpu.dma_semaphore, #tpu.memory_space<semaphore_mem>>) src(%arg7 : memref<80x128xf32, #tpu.memory_space<vmem>>) dst(%dma_wait3A_51 : memref<80x128xf32, #tpu.memory_space<vmem_shared>>)
      tpu.yield
    }) : () -> ()
    %barrier3A_42 = arith.constant 0 : index
    tpu.barrier barrier_id(%barrier3A_42)
    %eq3A_43 = arith.constant 0 : i32
    %eq3A_44 = arith.cmpi eq, %arg1, %eq3A_43 : i32
    %convert_element_type3A_45 = arith.extui %eq3A_44 : i1 to i32
    %cond3A_46 = arith.constant 0 : i32
    %cond3A_47 = arith.cmpi ne, %convert_element_type3A_45, %cond3A_46 : i32
    scf.if %cond3A_47 {
      "tpu.region"() ({
        %run_scoped3A = tpu.sem_alloc : memref<!tpu.dma_semaphore, #tpu.memory_space<semaphore_mem>>
        %dma_start3A = arith.constant 0 : i32
        %dma_start3A_48 = arith.constant 0 : i32
        %dma_start3A_49 = tpu.memref_slice %arg5[%arg0, %dma_start3A, %dma_start3A_48] : memref<2x80x128xf32, #tpu.memory_space<hbm>> -> memref<1x80x128xf32, #tpu.memory_space<hbm>>
        %dma_start3A_50 = tpu.memref_squeeze %dma_start3A_49 : memref<1x80x128xf32, #tpu.memory_space<hbm>> -> memref<80x128xf32, #tpu.memory_space<hbm>>
        tpu.enqueue_dma source(%arg9 : memref<80x128xf32, #tpu.memory_space<vmem_shared>>) target(%dma_start3A_50 : memref<80x128xf32, #tpu.memory_space<hbm>>) target_semaphore(%run_scoped3A : memref<!tpu.dma_semaphore, #tpu.memory_space<semaphore_mem>>)
        %dma_wait3A = arith.constant 0 : i32
        %dma_wait3A_51 = arith.constant 0 : i32
        %dma_wait3A_52 = tpu.memref_slice %arg5[%arg0, %dma_wait3A, %dma_wait3A_51] : memref<2x80x128xf32, #tpu.memory_space<hbm>> -> memref<1x80x128xf32, #tpu.memory_space<hbm>>
        %dma_wait3A_53 = tpu.memref_squeeze %dma_wait3A_52 : memref<1x80x128xf32, #tpu.memory_space<hbm>> -> memref<80x128xf32, #tpu.memory_space<hbm>>
        tpu.wait_dma2 semaphore(%run_scoped3A : memref<!tpu.dma_semaphore, #tpu.memory_space<semaphore_mem>>) src(%arg9 : memref<80x128xf32, #tpu.memory_space<vmem_shared>>) dst(%dma_wait3A_53 : memref<80x128xf32, #tpu.memory_space<hbm>>)
        tpu.yield
      }) : () -> ()
    } else {
    }
    return
  }
}

#map = affine_map<(d0, d1) -> (0, 0)>
#map1 = affine_map<(d0, d1) -> (0, 0, 0)>
module attributes {stable_mosaic.version = 14 : i64} {
  func.func @agg(%arg0: i32, %arg1: i32, %arg2: memref<1280x128xi32, #tpu.memory_space<hbm>>, %arg3: memref<1280x128xi32, #tpu.memory_space<hbm>>, %arg4: memref<10000x128xf32, #tpu.memory_space<hbm>>, %arg5: memref<640x128xf32, #tpu.memory_space<hbm>>, %arg6: memref<2x10000x128xf32, #tpu.memory_space<hbm>>, %arg7: memref<40x128xi32, #tpu.memory_space<vmem>>, %arg8: memref<40x128xi32, #tpu.memory_space<vmem>>, %arg9: memref<2x128x128xf32, #tpu.memory_space<vmem>>, %arg10: memref<10240x128xf32, #tpu.memory_space<vmem_shared>>, %arg11: memref<!tpu.dma_semaphore, #tpu.memory_space<semaphore_mem>>, %arg12: memref<!tpu.dma_semaphore, #tpu.memory_space<semaphore_mem>>) attributes {dimension_semantics = [#tpu.dimension_semantics<core_parallel>, #tpu.dimension_semantics<subcore_parallel>], iteration_bounds = array<i64: 2, 16>, scalar_prefetch = 0 : i64, scratch_operands = 6 : i64, tpu.core_type = #tpu.core_type<sc_vector_subcore>, window_params = [{transform_indices = #map}, {transform_indices = #map}, {transform_indices = #map}, {transform_indices = #map}, {transform_indices = #map1}]} {
    %mul3A = arith.constant 640 : i32
    %mul3A_0 = arith.muli %arg1, %mul3A : i32
    %multiple_of3A = tpu.assume_multiple %mul3A_0, 8 : i32
    "tpu.region"() ({
      %run_scoped3A = tpu.sem_alloc : memref<!tpu.dma_semaphore, #tpu.memory_space<semaphore_mem>>
      %dma_start3A_42 = arith.constant 0 : i32
      %dma_start3A_43 = tpu.memref_slice %arg10[%multiple_of3A, %dma_start3A_42] : memref<10240x128xf32, #tpu.memory_space<vmem_shared>> -> memref<640x128xf32, #tpu.memory_space<vmem_shared>>
      tpu.enqueue_dma source(%arg5 : memref<640x128xf32, #tpu.memory_space<hbm>>) target(%dma_start3A_43 : memref<640x128xf32, #tpu.memory_space<vmem_shared>>) target_semaphore(%run_scoped3A : memref<!tpu.dma_semaphore, #tpu.memory_space<semaphore_mem>>)
      %dma_wait3A_44 = arith.constant 0 : i32
      %dma_wait3A_45 = tpu.memref_slice %arg10[%multiple_of3A, %dma_wait3A_44] : memref<10240x128xf32, #tpu.memory_space<vmem_shared>> -> memref<640x128xf32, #tpu.memory_space<vmem_shared>>
      tpu.wait_dma2 semaphore(%run_scoped3A : memref<!tpu.dma_semaphore, #tpu.memory_space<semaphore_mem>>) src(%arg5 : memref<640x128xf32, #tpu.memory_space<hbm>>) dst(%dma_wait3A_45 : memref<640x128xf32, #tpu.memory_space<vmem_shared>>)
      tpu.yield
    }) : () -> ()
    %mul3A_1 = arith.constant 640 : i32
    %mul3A_2 = arith.muli %arg0, %mul3A_1 : i32
    %mul3A_3 = arith.constant 40 : i32
    %mul3A_4 = arith.muli %arg1, %mul3A_3 : i32
    %add3A = arith.addi %mul3A_2, %mul3A_4 : i32
    %barrier3A = arith.constant 0 : index
    tpu.barrier barrier_id(%barrier3A)
    %add3A_5 = arith.constant 0 : i32
    %add3A_6 = arith.addi %add3A, %add3A_5 : i32
    %multiple_of3A_7 = tpu.assume_multiple %add3A_6, 8 : i32
    "tpu.region"() ({
      %run_scoped3A = tpu.sem_alloc : memref<!tpu.dma_semaphore, #tpu.memory_space<semaphore_mem>>
      %dma_start3A_42 = arith.constant 0 : i32
      %dma_start3A_43 = tpu.memref_slice %arg2[%multiple_of3A_7, %dma_start3A_42] : memref<1280x128xi32, #tpu.memory_space<hbm>> -> memref<40x128xi32, #tpu.memory_space<hbm>>
      %dma_start3A_44 = arith.constant 0 : i32
      %dma_start3A_45 = tpu.memref_slice %arg2[%multiple_of3A_7, %dma_start3A_44] : memref<1280x128xi32, #tpu.memory_space<hbm>> -> memref<40x128xi32, #tpu.memory_space<hbm>>
      tpu.enqueue_dma source(%dma_start3A_45 : memref<40x128xi32, #tpu.memory_space<hbm>>) target(%arg7 : memref<40x128xi32, #tpu.memory_space<vmem>>) target_semaphore(%run_scoped3A : memref<!tpu.dma_semaphore, #tpu.memory_space<semaphore_mem>>)
      %dma_wait3A_46 = arith.constant 0 : i32
      %dma_wait3A_47 = tpu.memref_slice %arg2[%multiple_of3A_7, %dma_wait3A_46] : memref<1280x128xi32, #tpu.memory_space<hbm>> -> memref<40x128xi32, #tpu.memory_space<hbm>>
      %dma_wait3A_48 = arith.constant 0 : i32
      %dma_wait3A_49 = tpu.memref_slice %arg2[%multiple_of3A_7, %dma_wait3A_48] : memref<1280x128xi32, #tpu.memory_space<hbm>> -> memref<40x128xi32, #tpu.memory_space<hbm>>
      tpu.wait_dma2 semaphore(%run_scoped3A : memref<!tpu.dma_semaphore, #tpu.memory_space<semaphore_mem>>) src(%dma_wait3A_49 : memref<40x128xi32, #tpu.memory_space<hbm>>) dst(%arg7 : memref<40x128xi32, #tpu.memory_space<vmem>>)
      tpu.yield
    }) : () -> ()
    "tpu.region"() ({
      %run_scoped3A = tpu.sem_alloc : memref<!tpu.dma_semaphore, #tpu.memory_space<semaphore_mem>>
      %dma_start3A_42 = arith.constant 0 : i32
      %dma_start3A_43 = tpu.memref_slice %arg3[%multiple_of3A_7, %dma_start3A_42] : memref<1280x128xi32, #tpu.memory_space<hbm>> -> memref<40x128xi32, #tpu.memory_space<hbm>>
      %dma_start3A_44 = arith.constant 0 : i32
      %dma_start3A_45 = tpu.memref_slice %arg3[%multiple_of3A_7, %dma_start3A_44] : memref<1280x128xi32, #tpu.memory_space<hbm>> -> memref<40x128xi32, #tpu.memory_space<hbm>>
      tpu.enqueue_dma source(%dma_start3A_45 : memref<40x128xi32, #tpu.memory_space<hbm>>) target(%arg8 : memref<40x128xi32, #tpu.memory_space<vmem>>) target_semaphore(%run_scoped3A : memref<!tpu.dma_semaphore, #tpu.memory_space<semaphore_mem>>)
      %dma_wait3A_46 = arith.constant 0 : i32
      %dma_wait3A_47 = tpu.memref_slice %arg3[%multiple_of3A_7, %dma_wait3A_46] : memref<1280x128xi32, #tpu.memory_space<hbm>> -> memref<40x128xi32, #tpu.memory_space<hbm>>
      %dma_wait3A_48 = arith.constant 0 : i32
      %dma_wait3A_49 = tpu.memref_slice %arg3[%multiple_of3A_7, %dma_wait3A_48] : memref<1280x128xi32, #tpu.memory_space<hbm>> -> memref<40x128xi32, #tpu.memory_space<hbm>>
      tpu.wait_dma2 semaphore(%run_scoped3A : memref<!tpu.dma_semaphore, #tpu.memory_space<semaphore_mem>>) src(%dma_wait3A_49 : memref<40x128xi32, #tpu.memory_space<hbm>>) dst(%arg8 : memref<40x128xi32, #tpu.memory_space<vmem>>)
      tpu.yield
    }) : () -> ()
    %dma_start3A = arith.constant 0 : i32
    %dma_start3A_8 = arith.constant 0 : i32
    %dma_start3A_9 = arith.constant 0 : i32
    %dma_start3A_10 = arith.constant 0 : i32
    %dma_start3A_11 = tpu.memref_slice %arg9[%dma_start3A_8, %dma_start3A_9, %dma_start3A_10] : memref<2x128x128xf32, #tpu.memory_space<vmem>> -> memref<1x128x128xf32, #tpu.memory_space<vmem>>
    %dma_start3A_12 = tpu.memref_squeeze %dma_start3A_11 : memref<1x128x128xf32, #tpu.memory_space<vmem>> -> memref<128x128xf32, #tpu.memory_space<vmem>>
    %dma_start3A_13 = arith.constant 0 : i32
    %dma_start3A_14 = tpu.memref_slice %arg7[%dma_start3A, %dma_start3A_13] : memref<40x128xi32, #tpu.memory_space<vmem>> -> memref<1x128xi32, #tpu.memory_space<vmem>>
    %dma_start3A_15 = tpu.memref_squeeze %dma_start3A_14 : memref<1x128xi32, #tpu.memory_space<vmem>> -> memref<128xi32, #tpu.memory_space<vmem>>
    %dma_start3A_16 = arith.constant 0 : i32
    %dma_start3A_17 = arith.constant 0 : i32
    %dma_start3A_18 = tpu.memref_slice %arg4[%dma_start3A_16, %dma_start3A_17] : memref<10000x128xf32, #tpu.memory_space<hbm>> -> memref<10000x128xf32, #tpu.memory_space<hbm>>
    tpu.enqueue_indirect_dma source(%dma_start3A_18 : memref<10000x128xf32, #tpu.memory_space<hbm>>) target(%dma_start3A_12 : memref<128x128xf32, #tpu.memory_space<vmem>>) offsets(%dma_start3A_15 : memref<128xi32, #tpu.memory_space<vmem>>) semaphore(%arg11 : memref<!tpu.dma_semaphore, #tpu.memory_space<semaphore_mem>>)
    %scan3A = arith.constant 0 : i32
    %scan3A_19 = arith.constant 0 : i32
    %scan3A_20 = arith.constant 40 : i32
    %scan3A_21 = arith.addi %scan3A_19, %scan3A_20 : i32
    %scan3A_22 = arith.constant 1 : i32
    scf.for %scan3A_42 = %scan3A_19 to %scan3A_21 step %scan3A_22  : i32 {
      %rem3A = arith.constant 2 : i32
      %rem3A_43 = arith.remsi %scan3A_42, %rem3A : i32
      %dma_wait3A_44 = arith.constant 0 : i32
      %dma_wait3A_45 = arith.constant 0 : i32
      %dma_wait3A_46 = tpu.memref_slice %arg9[%rem3A_43, %dma_wait3A_44, %dma_wait3A_45] : memref<2x128x128xf32, #tpu.memory_space<vmem>> -> memref<1x128x128xf32, #tpu.memory_space<vmem>>
      %dma_wait3A_47 = tpu.memref_squeeze %dma_wait3A_46 : memref<1x128x128xf32, #tpu.memory_space<vmem>> -> memref<128x128xf32, #tpu.memory_space<vmem>>
      %dma_wait3A_48 = arith.constant 0 : i32
      %dma_wait3A_49 = tpu.memref_slice %arg7[%scan3A_42, %dma_wait3A_48] : memref<40x128xi32, #tpu.memory_space<vmem>> -> memref<1x128xi32, #tpu.memory_space<vmem>>
      %dma_wait3A_50 = tpu.memref_squeeze %dma_wait3A_49 : memref<1x128xi32, #tpu.memory_space<vmem>> -> memref<128xi32, #tpu.memory_space<vmem>>
      %dma_wait3A_51 = arith.constant 0 : i32
      %dma_wait3A_52 = arith.constant 0 : i32
      %dma_wait3A_53 = tpu.memref_slice %arg4[%dma_wait3A_51, %dma_wait3A_52] : memref<10000x128xf32, #tpu.memory_space<hbm>> -> memref<10000x128xf32, #tpu.memory_space<hbm>>
      tpu.wait_indirect_dma semaphore(%arg11 : memref<!tpu.dma_semaphore, #tpu.memory_space<semaphore_mem>>) src(%dma_wait3A_53 : memref<10000x128xf32, #tpu.memory_space<hbm>>) dst(%dma_wait3A_47 : memref<128x128xf32, #tpu.memory_space<vmem>>)
      %ge3A = arith.constant 1 : i32
      %ge3A_54 = arith.cmpi sge, %scan3A_42, %ge3A : i32
      %convert_element_type3A_55 = arith.extui %ge3A_54 : i1 to i32
      %cond3A_56 = arith.constant 0 : i32
      %cond3A_57 = arith.cmpi ne, %convert_element_type3A_55, %cond3A_56 : i32
      scf.if %cond3A_57 {
        %sub3A = arith.constant 1 : i32
        %sub3A_75 = arith.subi %sub3A, %rem3A_43 : i32
        %dma_wait3A_76 = arith.constant 0 : i32
        %dma_wait3A_77 = arith.constant 0 : i32
        %dma_wait3A_78 = tpu.memref_slice %arg9[%sub3A_75, %dma_wait3A_76, %dma_wait3A_77] : memref<2x128x128xf32, #tpu.memory_space<vmem>> -> memref<1x128x128xf32, #tpu.memory_space<vmem>>
        %dma_wait3A_79 = tpu.memref_squeeze %dma_wait3A_78 : memref<1x128x128xf32, #tpu.memory_space<vmem>> -> memref<128x128xf32, #tpu.memory_space<vmem>>
        %dma_wait3A_80 = arith.constant 0 : i32
        %dma_wait3A_81 = tpu.memref_slice %arg8[%scan3A_42, %dma_wait3A_80] : memref<40x128xi32, #tpu.memory_space<vmem>> -> memref<1x128xi32, #tpu.memory_space<vmem>>
        %dma_wait3A_82 = tpu.memref_squeeze %dma_wait3A_81 : memref<1x128xi32, #tpu.memory_space<vmem>> -> memref<128xi32, #tpu.memory_space<vmem>>
        %dma_wait3A_83 = arith.constant 0 : i32
        %dma_wait3A_84 = arith.constant 0 : i32
        %dma_wait3A_85 = tpu.memref_slice %arg10[%dma_wait3A_83, %dma_wait3A_84] : memref<10240x128xf32, #tpu.memory_space<vmem_shared>> -> memref<10240x128xf32, #tpu.memory_space<vmem_shared>>
        tpu.wait_indirect_dma semaphore(%arg12 : memref<!tpu.dma_semaphore, #tpu.memory_space<semaphore_mem>>) src(%dma_wait3A_79 : memref<128x128xf32, #tpu.memory_space<vmem>>) dst(%dma_wait3A_85 : memref<10240x128xf32, #tpu.memory_space<vmem_shared>>)
      } else {
      }
      %add3A_58 = arith.constant 1 : i32
      %add3A_59 = arith.addi %scan3A_42, %add3A_58 : i32
      %lt3A_60 = arith.constant 40 : i32
      %lt3A_61 = arith.cmpi slt, %add3A_59, %lt3A_60 : i32
      %convert_element_type3A_62 = arith.extui %lt3A_61 : i1 to i32
      %cond3A_63 = arith.constant 0 : i32
      %cond3A_64 = arith.cmpi ne, %convert_element_type3A_62, %cond3A_63 : i32
      scf.if %cond3A_64 {
        %add3A_75 = arith.constant 1 : i32
        %add3A_76 = arith.addi %scan3A_42, %add3A_75 : i32
        %sub3A = arith.constant 1 : i32
        %sub3A_77 = arith.subi %sub3A, %rem3A_43 : i32
        %dma_start3A_78 = arith.constant 0 : i32
        %dma_start3A_79 = arith.constant 0 : i32
        %dma_start3A_80 = tpu.memref_slice %arg9[%sub3A_77, %dma_start3A_78, %dma_start3A_79] : memref<2x128x128xf32, #tpu.memory_space<vmem>> -> memref<1x128x128xf32, #tpu.memory_space<vmem>>
        %dma_start3A_81 = tpu.memref_squeeze %dma_start3A_80 : memref<1x128x128xf32, #tpu.memory_space<vmem>> -> memref<128x128xf32, #tpu.memory_space<vmem>>
        %dma_start3A_82 = arith.constant 0 : i32
        %dma_start3A_83 = tpu.memref_slice %arg7[%add3A_76, %dma_start3A_82] : memref<40x128xi32, #tpu.memory_space<vmem>> -> memref<1x128xi32, #tpu.memory_space<vmem>>
        %dma_start3A_84 = tpu.memref_squeeze %dma_start3A_83 : memref<1x128xi32, #tpu.memory_space<vmem>> -> memref<128xi32, #tpu.memory_space<vmem>>
        %dma_start3A_85 = arith.constant 0 : i32
        %dma_start3A_86 = arith.constant 0 : i32
        %dma_start3A_87 = tpu.memref_slice %arg4[%dma_start3A_85, %dma_start3A_86] : memref<10000x128xf32, #tpu.memory_space<hbm>> -> memref<10000x128xf32, #tpu.memory_space<hbm>>
        tpu.enqueue_indirect_dma source(%dma_start3A_87 : memref<10000x128xf32, #tpu.memory_space<hbm>>) target(%dma_start3A_81 : memref<128x128xf32, #tpu.memory_space<vmem>>) offsets(%dma_start3A_84 : memref<128xi32, #tpu.memory_space<vmem>>) semaphore(%arg11 : memref<!tpu.dma_semaphore, #tpu.memory_space<semaphore_mem>>)
      } else {
      }
      %dma_start3A_65 = arith.constant 0 : i32
      %dma_start3A_66 = arith.constant 0 : i32
      %dma_start3A_67 = tpu.memref_slice %arg9[%rem3A_43, %dma_start3A_65, %dma_start3A_66] : memref<2x128x128xf32, #tpu.memory_space<vmem>> -> memref<1x128x128xf32, #tpu.memory_space<vmem>>
      %dma_start3A_68 = tpu.memref_squeeze %dma_start3A_67 : memref<1x128x128xf32, #tpu.memory_space<vmem>> -> memref<128x128xf32, #tpu.memory_space<vmem>>
      %dma_start3A_69 = arith.constant 0 : i32
      %dma_start3A_70 = tpu.memref_slice %arg8[%scan3A_42, %dma_start3A_69] : memref<40x128xi32, #tpu.memory_space<vmem>> -> memref<1x128xi32, #tpu.memory_space<vmem>>
      %dma_start3A_71 = tpu.memref_squeeze %dma_start3A_70 : memref<1x128xi32, #tpu.memory_space<vmem>> -> memref<128xi32, #tpu.memory_space<vmem>>
      %dma_start3A_72 = arith.constant 0 : i32
      %dma_start3A_73 = arith.constant 0 : i32
      %dma_start3A_74 = tpu.memref_slice %arg10[%dma_start3A_72, %dma_start3A_73] : memref<10240x128xf32, #tpu.memory_space<vmem_shared>> -> memref<10240x128xf32, #tpu.memory_space<vmem_shared>>
      tpu.enqueue_indirect_dma source(%dma_start3A_68 : memref<128x128xf32, #tpu.memory_space<vmem>>) target(%dma_start3A_74 : memref<10240x128xf32, #tpu.memory_space<vmem_shared>>) offsets(%dma_start3A_71 : memref<128xi32, #tpu.memory_space<vmem>>) semaphore(%arg12 : memref<!tpu.dma_semaphore, #tpu.memory_space<semaphore_mem>>) {add = true}
    }
    %scan3A_23 = arith.constant 40 : i32
    %dma_wait3A = arith.constant 1 : i32
    %dma_wait3A_24 = arith.constant 39 : i32
    %dma_wait3A_25 = arith.constant 0 : i32
    %dma_wait3A_26 = arith.constant 0 : i32
    %dma_wait3A_27 = tpu.memref_slice %arg9[%dma_wait3A, %dma_wait3A_25, %dma_wait3A_26] : memref<2x128x128xf32, #tpu.memory_space<vmem>> -> memref<1x128x128xf32, #tpu.memory_space<vmem>>
    %dma_wait3A_28 = tpu.memref_squeeze %dma_wait3A_27 : memref<1x128x128xf32, #tpu.memory_space<vmem>> -> memref<128x128xf32, #tpu.memory_space<vmem>>
    %dma_wait3A_29 = arith.constant 0 : i32
    %dma_wait3A_30 = tpu.memref_slice %arg8[%dma_wait3A_24, %dma_wait3A_29] : memref<40x128xi32, #tpu.memory_space<vmem>> -> memref<1x128xi32, #tpu.memory_space<vmem>>
    %dma_wait3A_31 = tpu.memref_squeeze %dma_wait3A_30 : memref<1x128xi32, #tpu.memory_space<vmem>> -> memref<128xi32, #tpu.memory_space<vmem>>
    %dma_wait3A_32 = arith.constant 0 : i32
    %dma_wait3A_33 = arith.constant 0 : i32
    %dma_wait3A_34 = tpu.memref_slice %arg10[%dma_wait3A_32, %dma_wait3A_33] : memref<10240x128xf32, #tpu.memory_space<vmem_shared>> -> memref<10240x128xf32, #tpu.memory_space<vmem_shared>>
    tpu.wait_indirect_dma semaphore(%arg12 : memref<!tpu.dma_semaphore, #tpu.memory_space<semaphore_mem>>) src(%dma_wait3A_28 : memref<128x128xf32, #tpu.memory_space<vmem>>) dst(%dma_wait3A_34 : memref<10240x128xf32, #tpu.memory_space<vmem_shared>>)
    %barrier3A_35 = arith.constant 0 : index
    tpu.barrier barrier_id(%barrier3A_35)
    %lt3A = arith.constant 15 : i32
    %lt3A_36 = arith.cmpi slt, %arg1, %lt3A : i32
    %convert_element_type3A = arith.extui %lt3A_36 : i1 to i32
    %cond3A = arith.constant 0 : i32
    %cond3A_37 = arith.cmpi ne, %convert_element_type3A, %cond3A : i32
    scf.if %cond3A_37 {
      %mul3A_42 = arith.constant 624 : i32
      %mul3A_43 = arith.muli %arg1, %mul3A_42 : i32
      %multiple_of3A_44 = tpu.assume_multiple %mul3A_43, 8 : i32
      "tpu.region"() ({
        %run_scoped3A = tpu.sem_alloc : memref<!tpu.dma_semaphore, #tpu.memory_space<semaphore_mem>>
        %dma_start3A_45 = arith.constant 0 : i32
        %dma_start3A_46 = arith.constant 0 : i32
        %dma_start3A_47 = tpu.memref_slice %arg6[%arg0, %dma_start3A_45, %dma_start3A_46] : memref<2x10000x128xf32, #tpu.memory_space<hbm>> -> memref<1x10000x128xf32, #tpu.memory_space<hbm>>
        %dma_start3A_48 = tpu.memref_squeeze %dma_start3A_47 : memref<1x10000x128xf32, #tpu.memory_space<hbm>> -> memref<10000x128xf32, #tpu.memory_space<hbm>>
        %dma_start3A_49 = arith.constant 0 : i32
        %dma_start3A_50 = tpu.memref_slice %dma_start3A_48[%multiple_of3A_44, %dma_start3A_49] : memref<10000x128xf32, #tpu.memory_space<hbm>> -> memref<624x128xf32, #tpu.memory_space<hbm>>
        %dma_start3A_51 = arith.constant 0 : i32
        %dma_start3A_52 = tpu.memref_slice %arg10[%multiple_of3A_44, %dma_start3A_51] : memref<10240x128xf32, #tpu.memory_space<vmem_shared>> -> memref<624x128xf32, #tpu.memory_space<vmem_shared>>
        tpu.enqueue_dma source(%dma_start3A_52 : memref<624x128xf32, #tpu.memory_space<vmem_shared>>) target(%dma_start3A_50 : memref<624x128xf32, #tpu.memory_space<hbm>>) target_semaphore(%run_scoped3A : memref<!tpu.dma_semaphore, #tpu.memory_space<semaphore_mem>>)
        %dma_wait3A_53 = arith.constant 0 : i32
        %dma_wait3A_54 = arith.constant 0 : i32
        %dma_wait3A_55 = tpu.memref_slice %arg6[%arg0, %dma_wait3A_53, %dma_wait3A_54] : memref<2x10000x128xf32, #tpu.memory_space<hbm>> -> memref<1x10000x128xf32, #tpu.memory_space<hbm>>
        %dma_wait3A_56 = tpu.memref_squeeze %dma_wait3A_55 : memref<1x10000x128xf32, #tpu.memory_space<hbm>> -> memref<10000x128xf32, #tpu.memory_space<hbm>>
        %dma_wait3A_57 = arith.constant 0 : i32
        %dma_wait3A_58 = tpu.memref_slice %dma_wait3A_56[%multiple_of3A_44, %dma_wait3A_57] : memref<10000x128xf32, #tpu.memory_space<hbm>> -> memref<624x128xf32, #tpu.memory_space<hbm>>
        %dma_wait3A_59 = arith.constant 0 : i32
        %dma_wait3A_60 = tpu.memref_slice %arg10[%multiple_of3A_44, %dma_wait3A_59] : memref<10240x128xf32, #tpu.memory_space<vmem_shared>> -> memref<624x128xf32, #tpu.memory_space<vmem_shared>>
        tpu.wait_dma2 semaphore(%run_scoped3A : memref<!tpu.dma_semaphore, #tpu.memory_space<semaphore_mem>>) src(%dma_wait3A_60 : memref<624x128xf32, #tpu.memory_space<vmem_shared>>) dst(%dma_wait3A_58 : memref<624x128xf32, #tpu.memory_space<hbm>>)
        tpu.yield
      }) : () -> ()
    } else {
    }
    %eq3A = arith.constant 15 : i32
    %eq3A_38 = arith.cmpi eq, %arg1, %eq3A : i32
    %convert_element_type3A_39 = arith.extui %eq3A_38 : i1 to i32
    %cond3A_40 = arith.constant 0 : i32
    %cond3A_41 = arith.cmpi ne, %convert_element_type3A_39, %cond3A_40 : i32
    scf.if %cond3A_41 {
      "tpu.region"() ({
        %run_scoped3A = tpu.sem_alloc : memref<!tpu.dma_semaphore, #tpu.memory_space<semaphore_mem>>
        %dma_start3A_42 = arith.constant 0 : i32
        %dma_start3A_43 = arith.constant 0 : i32
        %dma_start3A_44 = tpu.memref_slice %arg6[%arg0, %dma_start3A_42, %dma_start3A_43] : memref<2x10000x128xf32, #tpu.memory_space<hbm>> -> memref<1x10000x128xf32, #tpu.memory_space<hbm>>
        %dma_start3A_45 = tpu.memref_squeeze %dma_start3A_44 : memref<1x10000x128xf32, #tpu.memory_space<hbm>> -> memref<10000x128xf32, #tpu.memory_space<hbm>>
        %dma_start3A_46 = arith.constant 9360 : i32
        %dma_start3A_47 = arith.constant 0 : i32
        %dma_start3A_48 = tpu.memref_slice %dma_start3A_45[%dma_start3A_46, %dma_start3A_47] : memref<10000x128xf32, #tpu.memory_space<hbm>> -> memref<640x128xf32, #tpu.memory_space<hbm>>
        %dma_start3A_49 = arith.constant 9360 : i32
        %dma_start3A_50 = arith.constant 0 : i32
        %dma_start3A_51 = tpu.memref_slice %arg10[%dma_start3A_49, %dma_start3A_50] : memref<10240x128xf32, #tpu.memory_space<vmem_shared>> -> memref<640x128xf32, #tpu.memory_space<vmem_shared>>
        tpu.enqueue_dma source(%dma_start3A_51 : memref<640x128xf32, #tpu.memory_space<vmem_shared>>) target(%dma_start3A_48 : memref<640x128xf32, #tpu.memory_space<hbm>>) target_semaphore(%run_scoped3A : memref<!tpu.dma_semaphore, #tpu.memory_space<semaphore_mem>>)
        %dma_wait3A_52 = arith.constant 0 : i32
        %dma_wait3A_53 = arith.constant 0 : i32
        %dma_wait3A_54 = tpu.memref_slice %arg6[%arg0, %dma_wait3A_52, %dma_wait3A_53] : memref<2x10000x128xf32, #tpu.memory_space<hbm>> -> memref<1x10000x128xf32, #tpu.memory_space<hbm>>
        %dma_wait3A_55 = tpu.memref_squeeze %dma_wait3A_54 : memref<1x10000x128xf32, #tpu.memory_space<hbm>> -> memref<10000x128xf32, #tpu.memory_space<hbm>>
        %dma_wait3A_56 = arith.constant 9360 : i32
        %dma_wait3A_57 = arith.constant 0 : i32
        %dma_wait3A_58 = tpu.memref_slice %dma_wait3A_55[%dma_wait3A_56, %dma_wait3A_57] : memref<10000x128xf32, #tpu.memory_space<hbm>> -> memref<640x128xf32, #tpu.memory_space<hbm>>
        %dma_wait3A_59 = arith.constant 9360 : i32
        %dma_wait3A_60 = arith.constant 0 : i32
        %dma_wait3A_61 = tpu.memref_slice %arg10[%dma_wait3A_59, %dma_wait3A_60] : memref<10240x128xf32, #tpu.memory_space<vmem_shared>> -> memref<640x128xf32, #tpu.memory_space<vmem_shared>>
        tpu.wait_dma2 semaphore(%run_scoped3A : memref<!tpu.dma_semaphore, #tpu.memory_space<semaphore_mem>>) src(%dma_wait3A_61 : memref<640x128xf32, #tpu.memory_space<vmem_shared>>) dst(%dma_wait3A_58 : memref<640x128xf32, #tpu.memory_space<hbm>>)
        tpu.yield
      }) : () -> ()
    } else {
    }
    return
  }
}

#map = affine_map<(d0, d1) -> (0, 0)>
#map1 = affine_map<(d0, d1) -> (0, 0, 0)>
module attributes {stable_mosaic.version = 14 : i64} {
  func.func @agg(%arg0: i32, %arg1: i32, %arg2: memref<1280x128xi32, #tpu.memory_space<hbm>>, %arg3: memref<1280x128xi32, #tpu.memory_space<hbm>>, %arg4: memref<2x10000x128xf32, #tpu.memory_space<hbm>>, %arg5: memref<640x128xf32, #tpu.memory_space<hbm>>, %arg6: memref<2x10000x128xf32, #tpu.memory_space<hbm>>, %arg7: memref<40x128xi32, #tpu.memory_space<vmem>>, %arg8: memref<40x128xi32, #tpu.memory_space<vmem>>, %arg9: memref<2x128x128xf32, #tpu.memory_space<vmem>>, %arg10: memref<10240x128xf32, #tpu.memory_space<vmem_shared>>, %arg11: memref<!tpu.dma_semaphore, #tpu.memory_space<semaphore_mem>>, %arg12: memref<!tpu.dma_semaphore, #tpu.memory_space<semaphore_mem>>) attributes {dimension_semantics = [#tpu.dimension_semantics<core_parallel>, #tpu.dimension_semantics<subcore_parallel>], iteration_bounds = array<i64: 2, 16>, scalar_prefetch = 0 : i64, scratch_operands = 6 : i64, tpu.core_type = #tpu.core_type<sc_vector_subcore>, window_params = [{transform_indices = #map}, {transform_indices = #map}, {transform_indices = #map1}, {transform_indices = #map}, {transform_indices = #map1}]} {
    %mul3A = arith.constant 640 : i32
    %mul3A_0 = arith.muli %arg1, %mul3A : i32
    %multiple_of3A = tpu.assume_multiple %mul3A_0, 8 : i32
    "tpu.region"() ({
      %run_scoped3A = tpu.sem_alloc : memref<!tpu.dma_semaphore, #tpu.memory_space<semaphore_mem>>
      %dma_start3A_80 = arith.constant 0 : i32
      %dma_start3A_81 = tpu.memref_slice %arg10[%multiple_of3A, %dma_start3A_80] : memref<10240x128xf32, #tpu.memory_space<vmem_shared>> -> memref<640x128xf32, #tpu.memory_space<vmem_shared>>
      tpu.enqueue_dma source(%arg5 : memref<640x128xf32, #tpu.memory_space<hbm>>) target(%dma_start3A_81 : memref<640x128xf32, #tpu.memory_space<vmem_shared>>) target_semaphore(%run_scoped3A : memref<!tpu.dma_semaphore, #tpu.memory_space<semaphore_mem>>)
      %dma_wait3A_82 = arith.constant 0 : i32
      %dma_wait3A_83 = tpu.memref_slice %arg10[%multiple_of3A, %dma_wait3A_82] : memref<10240x128xf32, #tpu.memory_space<vmem_shared>> -> memref<640x128xf32, #tpu.memory_space<vmem_shared>>
      tpu.wait_dma2 semaphore(%run_scoped3A : memref<!tpu.dma_semaphore, #tpu.memory_space<semaphore_mem>>) src(%arg5 : memref<640x128xf32, #tpu.memory_space<hbm>>) dst(%dma_wait3A_83 : memref<640x128xf32, #tpu.memory_space<vmem_shared>>)
      tpu.yield
    }) : () -> ()
    %mul3A_1 = arith.constant 80 : i32
    %mul3A_2 = arith.muli %arg1, %mul3A_1 : i32
    %barrier3A = arith.constant 0 : index
    tpu.barrier barrier_id(%barrier3A)
    %add3A = arith.constant 0 : i32
    %add3A_3 = arith.addi %mul3A_2, %add3A : i32
    %multiple_of3A_4 = tpu.assume_multiple %add3A_3, 8 : i32
    "tpu.region"() ({
      %run_scoped3A = tpu.sem_alloc : memref<!tpu.dma_semaphore, #tpu.memory_space<semaphore_mem>>
      %dma_start3A_80 = arith.constant 0 : i32
      %dma_start3A_81 = tpu.memref_slice %arg2[%multiple_of3A_4, %dma_start3A_80] : memref<1280x128xi32, #tpu.memory_space<hbm>> -> memref<40x128xi32, #tpu.memory_space<hbm>>
      %dma_start3A_82 = arith.constant 0 : i32
      %dma_start3A_83 = tpu.memref_slice %arg2[%multiple_of3A_4, %dma_start3A_82] : memref<1280x128xi32, #tpu.memory_space<hbm>> -> memref<40x128xi32, #tpu.memory_space<hbm>>
      tpu.enqueue_dma source(%dma_start3A_83 : memref<40x128xi32, #tpu.memory_space<hbm>>) target(%arg7 : memref<40x128xi32, #tpu.memory_space<vmem>>) target_semaphore(%run_scoped3A : memref<!tpu.dma_semaphore, #tpu.memory_space<semaphore_mem>>)
      %dma_wait3A_84 = arith.constant 0 : i32
      %dma_wait3A_85 = tpu.memref_slice %arg2[%multiple_of3A_4, %dma_wait3A_84] : memref<1280x128xi32, #tpu.memory_space<hbm>> -> memref<40x128xi32, #tpu.memory_space<hbm>>
      %dma_wait3A_86 = arith.constant 0 : i32
      %dma_wait3A_87 = tpu.memref_slice %arg2[%multiple_of3A_4, %dma_wait3A_86] : memref<1280x128xi32, #tpu.memory_space<hbm>> -> memref<40x128xi32, #tpu.memory_space<hbm>>
      tpu.wait_dma2 semaphore(%run_scoped3A : memref<!tpu.dma_semaphore, #tpu.memory_space<semaphore_mem>>) src(%dma_wait3A_87 : memref<40x128xi32, #tpu.memory_space<hbm>>) dst(%arg7 : memref<40x128xi32, #tpu.memory_space<vmem>>)
      tpu.yield
    }) : () -> ()
    "tpu.region"() ({
      %run_scoped3A = tpu.sem_alloc : memref<!tpu.dma_semaphore, #tpu.memory_space<semaphore_mem>>
      %dma_start3A_80 = arith.constant 0 : i32
      %dma_start3A_81 = tpu.memref_slice %arg3[%multiple_of3A_4, %dma_start3A_80] : memref<1280x128xi32, #tpu.memory_space<hbm>> -> memref<40x128xi32, #tpu.memory_space<hbm>>
      %dma_start3A_82 = arith.constant 0 : i32
      %dma_start3A_83 = tpu.memref_slice %arg3[%multiple_of3A_4, %dma_start3A_82] : memref<1280x128xi32, #tpu.memory_space<hbm>> -> memref<40x128xi32, #tpu.memory_space<hbm>>
      tpu.enqueue_dma source(%dma_start3A_83 : memref<40x128xi32, #tpu.memory_space<hbm>>) target(%arg8 : memref<40x128xi32, #tpu.memory_space<vmem>>) target_semaphore(%run_scoped3A : memref<!tpu.dma_semaphore, #tpu.memory_space<semaphore_mem>>)
      %dma_wait3A_84 = arith.constant 0 : i32
      %dma_wait3A_85 = tpu.memref_slice %arg3[%multiple_of3A_4, %dma_wait3A_84] : memref<1280x128xi32, #tpu.memory_space<hbm>> -> memref<40x128xi32, #tpu.memory_space<hbm>>
      %dma_wait3A_86 = arith.constant 0 : i32
      %dma_wait3A_87 = tpu.memref_slice %arg3[%multiple_of3A_4, %dma_wait3A_86] : memref<1280x128xi32, #tpu.memory_space<hbm>> -> memref<40x128xi32, #tpu.memory_space<hbm>>
      tpu.wait_dma2 semaphore(%run_scoped3A : memref<!tpu.dma_semaphore, #tpu.memory_space<semaphore_mem>>) src(%dma_wait3A_87 : memref<40x128xi32, #tpu.memory_space<hbm>>) dst(%arg8 : memref<40x128xi32, #tpu.memory_space<vmem>>)
      tpu.yield
    }) : () -> ()
    %dma_start3A = arith.constant 0 : i32
    %dma_start3A_5 = arith.constant 0 : i32
    %dma_start3A_6 = arith.constant 0 : i32
    %dma_start3A_7 = arith.constant 0 : i32
    %dma_start3A_8 = tpu.memref_slice %arg9[%dma_start3A_5, %dma_start3A_6, %dma_start3A_7] : memref<2x128x128xf32, #tpu.memory_space<vmem>> -> memref<1x128x128xf32, #tpu.memory_space<vmem>>
    %dma_start3A_9 = tpu.memref_squeeze %dma_start3A_8 : memref<1x128x128xf32, #tpu.memory_space<vmem>> -> memref<128x128xf32, #tpu.memory_space<vmem>>
    %dma_start3A_10 = arith.constant 0 : i32
    %dma_start3A_11 = tpu.memref_slice %arg7[%dma_start3A, %dma_start3A_10] : memref<40x128xi32, #tpu.memory_space<vmem>> -> memref<1x128xi32, #tpu.memory_space<vmem>>
    %dma_start3A_12 = tpu.memref_squeeze %dma_start3A_11 : memref<1x128xi32, #tpu.memory_space<vmem>> -> memref<128xi32, #tpu.memory_space<vmem>>
    %dma_start3A_13 = arith.constant 0 : i32
    %dma_start3A_14 = arith.constant 0 : i32
    %dma_start3A_15 = tpu.memref_slice %arg4[%arg0, %dma_start3A_13, %dma_start3A_14] : memref<2x10000x128xf32, #tpu.memory_space<hbm>> -> memref<1x10000x128xf32, #tpu.memory_space<hbm>>
    %dma_start3A_16 = tpu.memref_squeeze %dma_start3A_15 : memref<1x10000x128xf32, #tpu.memory_space<hbm>> -> memref<10000x128xf32, #tpu.memory_space<hbm>>
    %dma_start3A_17 = arith.constant 0 : i32
    %dma_start3A_18 = arith.constant 0 : i32
    %dma_start3A_19 = tpu.memref_slice %dma_start3A_16[%dma_start3A_17, %dma_start3A_18] : memref<10000x128xf32, #tpu.memory_space<hbm>> -> memref<10000x128xf32, #tpu.memory_space<hbm>>
    tpu.enqueue_indirect_dma source(%dma_start3A_19 : memref<10000x128xf32, #tpu.memory_space<hbm>>) target(%dma_start3A_9 : memref<128x128xf32, #tpu.memory_space<vmem>>) offsets(%dma_start3A_12 : memref<128xi32, #tpu.memory_space<vmem>>) semaphore(%arg11 : memref<!tpu.dma_semaphore, #tpu.memory_space<semaphore_mem>>)
    %scan3A = arith.constant 0 : i32
    %scan3A_20 = arith.constant 0 : i32
    %scan3A_21 = arith.constant 40 : i32
    %scan3A_22 = arith.addi %scan3A_20, %scan3A_21 : i32
    %scan3A_23 = arith.constant 1 : i32
    scf.for %scan3A_80 = %scan3A_20 to %scan3A_22 step %scan3A_23  : i32 {
      %rem3A = arith.constant 2 : i32
      %rem3A_81 = arith.remsi %scan3A_80, %rem3A : i32
      %dma_wait3A_82 = arith.constant 0 : i32
      %dma_wait3A_83 = arith.constant 0 : i32
      %dma_wait3A_84 = tpu.memref_slice %arg9[%rem3A_81, %dma_wait3A_82, %dma_wait3A_83] : memref<2x128x128xf32, #tpu.memory_space<vmem>> -> memref<1x128x128xf32, #tpu.memory_space<vmem>>
      %dma_wait3A_85 = tpu.memref_squeeze %dma_wait3A_84 : memref<1x128x128xf32, #tpu.memory_space<vmem>> -> memref<128x128xf32, #tpu.memory_space<vmem>>
      %dma_wait3A_86 = arith.constant 0 : i32
      %dma_wait3A_87 = tpu.memref_slice %arg7[%scan3A_80, %dma_wait3A_86] : memref<40x128xi32, #tpu.memory_space<vmem>> -> memref<1x128xi32, #tpu.memory_space<vmem>>
      %dma_wait3A_88 = tpu.memref_squeeze %dma_wait3A_87 : memref<1x128xi32, #tpu.memory_space<vmem>> -> memref<128xi32, #tpu.memory_space<vmem>>
      %dma_wait3A_89 = arith.constant 0 : i32
      %dma_wait3A_90 = arith.constant 0 : i32
      %dma_wait3A_91 = tpu.memref_slice %arg4[%arg0, %dma_wait3A_89, %dma_wait3A_90] : memref<2x10000x128xf32, #tpu.memory_space<hbm>> -> memref<1x10000x128xf32, #tpu.memory_space<hbm>>
      %dma_wait3A_92 = tpu.memref_squeeze %dma_wait3A_91 : memref<1x10000x128xf32, #tpu.memory_space<hbm>> -> memref<10000x128xf32, #tpu.memory_space<hbm>>
      %dma_wait3A_93 = arith.constant 0 : i32
      %dma_wait3A_94 = arith.constant 0 : i32
      %dma_wait3A_95 = tpu.memref_slice %dma_wait3A_92[%dma_wait3A_93, %dma_wait3A_94] : memref<10000x128xf32, #tpu.memory_space<hbm>> -> memref<10000x128xf32, #tpu.memory_space<hbm>>
      tpu.wait_indirect_dma semaphore(%arg11 : memref<!tpu.dma_semaphore, #tpu.memory_space<semaphore_mem>>) src(%dma_wait3A_95 : memref<10000x128xf32, #tpu.memory_space<hbm>>) dst(%dma_wait3A_85 : memref<128x128xf32, #tpu.memory_space<vmem>>)
      %ge3A = arith.constant 1 : i32
      %ge3A_96 = arith.cmpi sge, %scan3A_80, %ge3A : i32
      %convert_element_type3A_97 = arith.extui %ge3A_96 : i1 to i32
      %cond3A_98 = arith.constant 0 : i32
      %cond3A_99 = arith.cmpi ne, %convert_element_type3A_97, %cond3A_98 : i32
      scf.if %cond3A_99 {
        %sub3A = arith.constant 1 : i32
        %sub3A_117 = arith.subi %sub3A, %rem3A_81 : i32
        %dma_wait3A_118 = arith.constant 0 : i32
        %dma_wait3A_119 = arith.constant 0 : i32
        %dma_wait3A_120 = tpu.memref_slice %arg9[%sub3A_117, %dma_wait3A_118, %dma_wait3A_119] : memref<2x128x128xf32, #tpu.memory_space<vmem>> -> memref<1x128x128xf32, #tpu.memory_space<vmem>>
        %dma_wait3A_121 = tpu.memref_squeeze %dma_wait3A_120 : memref<1x128x128xf32, #tpu.memory_space<vmem>> -> memref<128x128xf32, #tpu.memory_space<vmem>>
        %dma_wait3A_122 = arith.constant 0 : i32
        %dma_wait3A_123 = tpu.memref_slice %arg8[%scan3A_80, %dma_wait3A_122] : memref<40x128xi32, #tpu.memory_space<vmem>> -> memref<1x128xi32, #tpu.memory_space<vmem>>
        %dma_wait3A_124 = tpu.memref_squeeze %dma_wait3A_123 : memref<1x128xi32, #tpu.memory_space<vmem>> -> memref<128xi32, #tpu.memory_space<vmem>>
        %dma_wait3A_125 = arith.constant 0 : i32
        %dma_wait3A_126 = arith.constant 0 : i32
        %dma_wait3A_127 = tpu.memref_slice %arg10[%dma_wait3A_125, %dma_wait3A_126] : memref<10240x128xf32, #tpu.memory_space<vmem_shared>> -> memref<10240x128xf32, #tpu.memory_space<vmem_shared>>
        tpu.wait_indirect_dma semaphore(%arg12 : memref<!tpu.dma_semaphore, #tpu.memory_space<semaphore_mem>>) src(%dma_wait3A_121 : memref<128x128xf32, #tpu.memory_space<vmem>>) dst(%dma_wait3A_127 : memref<10240x128xf32, #tpu.memory_space<vmem_shared>>)
      } else {
      }
      %add3A_100 = arith.constant 1 : i32
      %add3A_101 = arith.addi %scan3A_80, %add3A_100 : i32
      %lt3A_102 = arith.constant 40 : i32
      %lt3A_103 = arith.cmpi slt, %add3A_101, %lt3A_102 : i32
      %convert_element_type3A_104 = arith.extui %lt3A_103 : i1 to i32
      %cond3A_105 = arith.constant 0 : i32
      %cond3A_106 = arith.cmpi ne, %convert_element_type3A_104, %cond3A_105 : i32
      scf.if %cond3A_106 {
        %add3A_117 = arith.constant 1 : i32
        %add3A_118 = arith.addi %scan3A_80, %add3A_117 : i32
        %sub3A = arith.constant 1 : i32
        %sub3A_119 = arith.subi %sub3A, %rem3A_81 : i32
        %dma_start3A_120 = arith.constant 0 : i32
        %dma_start3A_121 = arith.constant 0 : i32
        %dma_start3A_122 = tpu.memref_slice %arg9[%sub3A_119, %dma_start3A_120, %dma_start3A_121] : memref<2x128x128xf32, #tpu.memory_space<vmem>> -> memref<1x128x128xf32, #tpu.memory_space<vmem>>
        %dma_start3A_123 = tpu.memref_squeeze %dma_start3A_122 : memref<1x128x128xf32, #tpu.memory_space<vmem>> -> memref<128x128xf32, #tpu.memory_space<vmem>>
        %dma_start3A_124 = arith.constant 0 : i32
        %dma_start3A_125 = tpu.memref_slice %arg7[%add3A_118, %dma_start3A_124] : memref<40x128xi32, #tpu.memory_space<vmem>> -> memref<1x128xi32, #tpu.memory_space<vmem>>
        %dma_start3A_126 = tpu.memref_squeeze %dma_start3A_125 : memref<1x128xi32, #tpu.memory_space<vmem>> -> memref<128xi32, #tpu.memory_space<vmem>>
        %dma_start3A_127 = arith.constant 0 : i32
        %dma_start3A_128 = arith.constant 0 : i32
        %dma_start3A_129 = tpu.memref_slice %arg4[%arg0, %dma_start3A_127, %dma_start3A_128] : memref<2x10000x128xf32, #tpu.memory_space<hbm>> -> memref<1x10000x128xf32, #tpu.memory_space<hbm>>
        %dma_start3A_130 = tpu.memref_squeeze %dma_start3A_129 : memref<1x10000x128xf32, #tpu.memory_space<hbm>> -> memref<10000x128xf32, #tpu.memory_space<hbm>>
        %dma_start3A_131 = arith.constant 0 : i32
        %dma_start3A_132 = arith.constant 0 : i32
        %dma_start3A_133 = tpu.memref_slice %dma_start3A_130[%dma_start3A_131, %dma_start3A_132] : memref<10000x128xf32, #tpu.memory_space<hbm>> -> memref<10000x128xf32, #tpu.memory_space<hbm>>
        tpu.enqueue_indirect_dma source(%dma_start3A_133 : memref<10000x128xf32, #tpu.memory_space<hbm>>) target(%dma_start3A_123 : memref<128x128xf32, #tpu.memory_space<vmem>>) offsets(%dma_start3A_126 : memref<128xi32, #tpu.memory_space<vmem>>) semaphore(%arg11 : memref<!tpu.dma_semaphore, #tpu.memory_space<semaphore_mem>>)
      } else {
      }
      %dma_start3A_107 = arith.constant 0 : i32
      %dma_start3A_108 = arith.constant 0 : i32
      %dma_start3A_109 = tpu.memref_slice %arg9[%rem3A_81, %dma_start3A_107, %dma_start3A_108] : memref<2x128x128xf32, #tpu.memory_space<vmem>> -> memref<1x128x128xf32, #tpu.memory_space<vmem>>
      %dma_start3A_110 = tpu.memref_squeeze %dma_start3A_109 : memref<1x128x128xf32, #tpu.memory_space<vmem>> -> memref<128x128xf32, #tpu.memory_space<vmem>>
      %dma_start3A_111 = arith.constant 0 : i32
      %dma_start3A_112 = tpu.memref_slice %arg8[%scan3A_80, %dma_start3A_111] : memref<40x128xi32, #tpu.memory_space<vmem>> -> memref<1x128xi32, #tpu.memory_space<vmem>>
      %dma_start3A_113 = tpu.memref_squeeze %dma_start3A_112 : memref<1x128xi32, #tpu.memory_space<vmem>> -> memref<128xi32, #tpu.memory_space<vmem>>
      %dma_start3A_114 = arith.constant 0 : i32
      %dma_start3A_115 = arith.constant 0 : i32
      %dma_start3A_116 = tpu.memref_slice %arg10[%dma_start3A_114, %dma_start3A_115] : memref<10240x128xf32, #tpu.memory_space<vmem_shared>> -> memref<10240x128xf32, #tpu.memory_space<vmem_shared>>
      tpu.enqueue_indirect_dma source(%dma_start3A_110 : memref<128x128xf32, #tpu.memory_space<vmem>>) target(%dma_start3A_116 : memref<10240x128xf32, #tpu.memory_space<vmem_shared>>) offsets(%dma_start3A_113 : memref<128xi32, #tpu.memory_space<vmem>>) semaphore(%arg12 : memref<!tpu.dma_semaphore, #tpu.memory_space<semaphore_mem>>) {add = true}
    }
    %scan3A_24 = arith.constant 40 : i32
    %dma_wait3A = arith.constant 1 : i32
    %dma_wait3A_25 = arith.constant 39 : i32
    %dma_wait3A_26 = arith.constant 0 : i32
    %dma_wait3A_27 = arith.constant 0 : i32
    %dma_wait3A_28 = tpu.memref_slice %arg9[%dma_wait3A, %dma_wait3A_26, %dma_wait3A_27] : memref<2x128x128xf32, #tpu.memory_space<vmem>> -> memref<1x128x128xf32, #tpu.memory_space<vmem>>
    %dma_wait3A_29 = tpu.memref_squeeze %dma_wait3A_28 : memref<1x128x128xf32, #tpu.memory_space<vmem>> -> memref<128x128xf32, #tpu.memory_space<vmem>>
    %dma_wait3A_30 = arith.constant 0 : i32
    %dma_wait3A_31 = tpu.memref_slice %arg8[%dma_wait3A_25, %dma_wait3A_30] : memref<40x128xi32, #tpu.memory_space<vmem>> -> memref<1x128xi32, #tpu.memory_space<vmem>>
    %dma_wait3A_32 = tpu.memref_squeeze %dma_wait3A_31 : memref<1x128xi32, #tpu.memory_space<vmem>> -> memref<128xi32, #tpu.memory_space<vmem>>
    %dma_wait3A_33 = arith.constant 0 : i32
    %dma_wait3A_34 = arith.constant 0 : i32
    %dma_wait3A_35 = tpu.memref_slice %arg10[%dma_wait3A_33, %dma_wait3A_34] : memref<10240x128xf32, #tpu.memory_space<vmem_shared>> -> memref<10240x128xf32, #tpu.memory_space<vmem_shared>>
    tpu.wait_indirect_dma semaphore(%arg12 : memref<!tpu.dma_semaphore, #tpu.memory_space<semaphore_mem>>) src(%dma_wait3A_29 : memref<128x128xf32, #tpu.memory_space<vmem>>) dst(%dma_wait3A_35 : memref<10240x128xf32, #tpu.memory_space<vmem_shared>>)
    %add3A_36 = arith.constant 40 : i32
    %add3A_37 = arith.addi %mul3A_2, %add3A_36 : i32
    %multiple_of3A_38 = tpu.assume_multiple %add3A_37, 8 : i32
    "tpu.region"() ({
      %run_scoped3A = tpu.sem_alloc : memref<!tpu.dma_semaphore, #tpu.memory_space<semaphore_mem>>
      %dma_start3A_80 = arith.constant 0 : i32
      %dma_start3A_81 = tpu.memref_slice %arg2[%multiple_of3A_38, %dma_start3A_80] : memref<1280x128xi32, #tpu.memory_space<hbm>> -> memref<40x128xi32, #tpu.memory_space<hbm>>
      %dma_start3A_82 = arith.constant 0 : i32
      %dma_start3A_83 = tpu.memref_slice %arg2[%multiple_of3A_38, %dma_start3A_82] : memref<1280x128xi32, #tpu.memory_space<hbm>> -> memref<40x128xi32, #tpu.memory_space<hbm>>
      tpu.enqueue_dma source(%dma_start3A_83 : memref<40x128xi32, #tpu.memory_space<hbm>>) target(%arg7 : memref<40x128xi32, #tpu.memory_space<vmem>>) target_semaphore(%run_scoped3A : memref<!tpu.dma_semaphore, #tpu.memory_space<semaphore_mem>>)
      %dma_wait3A_84 = arith.constant 0 : i32
      %dma_wait3A_85 = tpu.memref_slice %arg2[%multiple_of3A_38, %dma_wait3A_84] : memref<1280x128xi32, #tpu.memory_space<hbm>> -> memref<40x128xi32, #tpu.memory_space<hbm>>
      %dma_wait3A_86 = arith.constant 0 : i32
      %dma_wait3A_87 = tpu.memref_slice %arg2[%multiple_of3A_38, %dma_wait3A_86] : memref<1280x128xi32, #tpu.memory_space<hbm>> -> memref<40x128xi32, #tpu.memory_space<hbm>>
      tpu.wait_dma2 semaphore(%run_scoped3A : memref<!tpu.dma_semaphore, #tpu.memory_space<semaphore_mem>>) src(%dma_wait3A_87 : memref<40x128xi32, #tpu.memory_space<hbm>>) dst(%arg7 : memref<40x128xi32, #tpu.memory_space<vmem>>)
      tpu.yield
    }) : () -> ()
    "tpu.region"() ({
      %run_scoped3A = tpu.sem_alloc : memref<!tpu.dma_semaphore, #tpu.memory_space<semaphore_mem>>
      %dma_start3A_80 = arith.constant 0 : i32
      %dma_start3A_81 = tpu.memref_slice %arg3[%multiple_of3A_38, %dma_start3A_80] : memref<1280x128xi32, #tpu.memory_space<hbm>> -> memref<40x128xi32, #tpu.memory_space<hbm>>
      %dma_start3A_82 = arith.constant 0 : i32
      %dma_start3A_83 = tpu.memref_slice %arg3[%multiple_of3A_38, %dma_start3A_82] : memref<1280x128xi32, #tpu.memory_space<hbm>> -> memref<40x128xi32, #tpu.memory_space<hbm>>
      tpu.enqueue_dma source(%dma_start3A_83 : memref<40x128xi32, #tpu.memory_space<hbm>>) target(%arg8 : memref<40x128xi32, #tpu.memory_space<vmem>>) target_semaphore(%run_scoped3A : memref<!tpu.dma_semaphore, #tpu.memory_space<semaphore_mem>>)
      %dma_wait3A_84 = arith.constant 0 : i32
      %dma_wait3A_85 = tpu.memref_slice %arg3[%multiple_of3A_38, %dma_wait3A_84] : memref<1280x128xi32, #tpu.memory_space<hbm>> -> memref<40x128xi32, #tpu.memory_space<hbm>>
      %dma_wait3A_86 = arith.constant 0 : i32
      %dma_wait3A_87 = tpu.memref_slice %arg3[%multiple_of3A_38, %dma_wait3A_86] : memref<1280x128xi32, #tpu.memory_space<hbm>> -> memref<40x128xi32, #tpu.memory_space<hbm>>
      tpu.wait_dma2 semaphore(%run_scoped3A : memref<!tpu.dma_semaphore, #tpu.memory_space<semaphore_mem>>) src(%dma_wait3A_87 : memref<40x128xi32, #tpu.memory_space<hbm>>) dst(%arg8 : memref<40x128xi32, #tpu.memory_space<vmem>>)
      tpu.yield
    }) : () -> ()
    %dma_start3A_39 = arith.constant 0 : i32
    %dma_start3A_40 = arith.constant 0 : i32
    %dma_start3A_41 = arith.constant 0 : i32
    %dma_start3A_42 = arith.constant 0 : i32
    %dma_start3A_43 = tpu.memref_slice %arg9[%dma_start3A_40, %dma_start3A_41, %dma_start3A_42] : memref<2x128x128xf32, #tpu.memory_space<vmem>> -> memref<1x128x128xf32, #tpu.memory_space<vmem>>
    %dma_start3A_44 = tpu.memref_squeeze %dma_start3A_43 : memref<1x128x128xf32, #tpu.memory_space<vmem>> -> memref<128x128xf32, #tpu.memory_space<vmem>>
    %dma_start3A_45 = arith.constant 0 : i32
    %dma_start3A_46 = tpu.memref_slice %arg7[%dma_start3A_39, %dma_start3A_45] : memref<40x128xi32, #tpu.memory_space<vmem>> -> memref<1x128xi32, #tpu.memory_space<vmem>>
    %dma_start3A_47 = tpu.memref_squeeze %dma_start3A_46 : memref<1x128xi32, #tpu.memory_space<vmem>> -> memref<128xi32, #tpu.memory_space<vmem>>
    %dma_start3A_48 = arith.constant 0 : i32
    %dma_start3A_49 = arith.constant 0 : i32
    %dma_start3A_50 = tpu.memref_slice %arg4[%arg0, %dma_start3A_48, %dma_start3A_49] : memref<2x10000x128xf32, #tpu.memory_space<hbm>> -> memref<1x10000x128xf32, #tpu.memory_space<hbm>>
    %dma_start3A_51 = tpu.memref_squeeze %dma_start3A_50 : memref<1x10000x128xf32, #tpu.memory_space<hbm>> -> memref<10000x128xf32, #tpu.memory_space<hbm>>
    %dma_start3A_52 = arith.constant 0 : i32
    %dma_start3A_53 = arith.constant 0 : i32
    %dma_start3A_54 = tpu.memref_slice %dma_start3A_51[%dma_start3A_52, %dma_start3A_53] : memref<10000x128xf32, #tpu.memory_space<hbm>> -> memref<10000x128xf32, #tpu.memory_space<hbm>>
    tpu.enqueue_indirect_dma source(%dma_start3A_54 : memref<10000x128xf32, #tpu.memory_space<hbm>>) target(%dma_start3A_44 : memref<128x128xf32, #tpu.memory_space<vmem>>) offsets(%dma_start3A_47 : memref<128xi32, #tpu.memory_space<vmem>>) semaphore(%arg11 : memref<!tpu.dma_semaphore, #tpu.memory_space<semaphore_mem>>)
    %scan3A_55 = arith.constant 0 : i32
    %scan3A_56 = arith.constant 0 : i32
    %scan3A_57 = arith.constant 40 : i32
    %scan3A_58 = arith.addi %scan3A_56, %scan3A_57 : i32
    %scan3A_59 = arith.constant 1 : i32
    scf.for %scan3A_80 = %scan3A_56 to %scan3A_58 step %scan3A_59  : i32 {
      %rem3A = arith.constant 2 : i32
      %rem3A_81 = arith.remsi %scan3A_80, %rem3A : i32
      %dma_wait3A_82 = arith.constant 0 : i32
      %dma_wait3A_83 = arith.constant 0 : i32
      %dma_wait3A_84 = tpu.memref_slice %arg9[%rem3A_81, %dma_wait3A_82, %dma_wait3A_83] : memref<2x128x128xf32, #tpu.memory_space<vmem>> -> memref<1x128x128xf32, #tpu.memory_space<vmem>>
      %dma_wait3A_85 = tpu.memref_squeeze %dma_wait3A_84 : memref<1x128x128xf32, #tpu.memory_space<vmem>> -> memref<128x128xf32, #tpu.memory_space<vmem>>
      %dma_wait3A_86 = arith.constant 0 : i32
      %dma_wait3A_87 = tpu.memref_slice %arg7[%scan3A_80, %dma_wait3A_86] : memref<40x128xi32, #tpu.memory_space<vmem>> -> memref<1x128xi32, #tpu.memory_space<vmem>>
      %dma_wait3A_88 = tpu.memref_squeeze %dma_wait3A_87 : memref<1x128xi32, #tpu.memory_space<vmem>> -> memref<128xi32, #tpu.memory_space<vmem>>
      %dma_wait3A_89 = arith.constant 0 : i32
      %dma_wait3A_90 = arith.constant 0 : i32
      %dma_wait3A_91 = tpu.memref_slice %arg4[%arg0, %dma_wait3A_89, %dma_wait3A_90] : memref<2x10000x128xf32, #tpu.memory_space<hbm>> -> memref<1x10000x128xf32, #tpu.memory_space<hbm>>
      %dma_wait3A_92 = tpu.memref_squeeze %dma_wait3A_91 : memref<1x10000x128xf32, #tpu.memory_space<hbm>> -> memref<10000x128xf32, #tpu.memory_space<hbm>>
      %dma_wait3A_93 = arith.constant 0 : i32
      %dma_wait3A_94 = arith.constant 0 : i32
      %dma_wait3A_95 = tpu.memref_slice %dma_wait3A_92[%dma_wait3A_93, %dma_wait3A_94] : memref<10000x128xf32, #tpu.memory_space<hbm>> -> memref<10000x128xf32, #tpu.memory_space<hbm>>
      tpu.wait_indirect_dma semaphore(%arg11 : memref<!tpu.dma_semaphore, #tpu.memory_space<semaphore_mem>>) src(%dma_wait3A_95 : memref<10000x128xf32, #tpu.memory_space<hbm>>) dst(%dma_wait3A_85 : memref<128x128xf32, #tpu.memory_space<vmem>>)
      %ge3A = arith.constant 1 : i32
      %ge3A_96 = arith.cmpi sge, %scan3A_80, %ge3A : i32
      %convert_element_type3A_97 = arith.extui %ge3A_96 : i1 to i32
      %cond3A_98 = arith.constant 0 : i32
      %cond3A_99 = arith.cmpi ne, %convert_element_type3A_97, %cond3A_98 : i32
      scf.if %cond3A_99 {
        %sub3A = arith.constant 1 : i32
        %sub3A_117 = arith.subi %sub3A, %rem3A_81 : i32
        %dma_wait3A_118 = arith.constant 0 : i32
        %dma_wait3A_119 = arith.constant 0 : i32
        %dma_wait3A_120 = tpu.memref_slice %arg9[%sub3A_117, %dma_wait3A_118, %dma_wait3A_119] : memref<2x128x128xf32, #tpu.memory_space<vmem>> -> memref<1x128x128xf32, #tpu.memory_space<vmem>>
        %dma_wait3A_121 = tpu.memref_squeeze %dma_wait3A_120 : memref<1x128x128xf32, #tpu.memory_space<vmem>> -> memref<128x128xf32, #tpu.memory_space<vmem>>
        %dma_wait3A_122 = arith.constant 0 : i32
        %dma_wait3A_123 = tpu.memref_slice %arg8[%scan3A_80, %dma_wait3A_122] : memref<40x128xi32, #tpu.memory_space<vmem>> -> memref<1x128xi32, #tpu.memory_space<vmem>>
        %dma_wait3A_124 = tpu.memref_squeeze %dma_wait3A_123 : memref<1x128xi32, #tpu.memory_space<vmem>> -> memref<128xi32, #tpu.memory_space<vmem>>
        %dma_wait3A_125 = arith.constant 0 : i32
        %dma_wait3A_126 = arith.constant 0 : i32
        %dma_wait3A_127 = tpu.memref_slice %arg10[%dma_wait3A_125, %dma_wait3A_126] : memref<10240x128xf32, #tpu.memory_space<vmem_shared>> -> memref<10240x128xf32, #tpu.memory_space<vmem_shared>>
        tpu.wait_indirect_dma semaphore(%arg12 : memref<!tpu.dma_semaphore, #tpu.memory_space<semaphore_mem>>) src(%dma_wait3A_121 : memref<128x128xf32, #tpu.memory_space<vmem>>) dst(%dma_wait3A_127 : memref<10240x128xf32, #tpu.memory_space<vmem_shared>>)
      } else {
      }
      %add3A_100 = arith.constant 1 : i32
      %add3A_101 = arith.addi %scan3A_80, %add3A_100 : i32
      %lt3A_102 = arith.constant 40 : i32
      %lt3A_103 = arith.cmpi slt, %add3A_101, %lt3A_102 : i32
      %convert_element_type3A_104 = arith.extui %lt3A_103 : i1 to i32
      %cond3A_105 = arith.constant 0 : i32
      %cond3A_106 = arith.cmpi ne, %convert_element_type3A_104, %cond3A_105 : i32
      scf.if %cond3A_106 {
        %add3A_117 = arith.constant 1 : i32
        %add3A_118 = arith.addi %scan3A_80, %add3A_117 : i32
        %sub3A = arith.constant 1 : i32
        %sub3A_119 = arith.subi %sub3A, %rem3A_81 : i32
        %dma_start3A_120 = arith.constant 0 : i32
        %dma_start3A_121 = arith.constant 0 : i32
        %dma_start3A_122 = tpu.memref_slice %arg9[%sub3A_119, %dma_start3A_120, %dma_start3A_121] : memref<2x128x128xf32, #tpu.memory_space<vmem>> -> memref<1x128x128xf32, #tpu.memory_space<vmem>>
        %dma_start3A_123 = tpu.memref_squeeze %dma_start3A_122 : memref<1x128x128xf32, #tpu.memory_space<vmem>> -> memref<128x128xf32, #tpu.memory_space<vmem>>
        %dma_start3A_124 = arith.constant 0 : i32
        %dma_start3A_125 = tpu.memref_slice %arg7[%add3A_118, %dma_start3A_124] : memref<40x128xi32, #tpu.memory_space<vmem>> -> memref<1x128xi32, #tpu.memory_space<vmem>>
        %dma_start3A_126 = tpu.memref_squeeze %dma_start3A_125 : memref<1x128xi32, #tpu.memory_space<vmem>> -> memref<128xi32, #tpu.memory_space<vmem>>
        %dma_start3A_127 = arith.constant 0 : i32
        %dma_start3A_128 = arith.constant 0 : i32
        %dma_start3A_129 = tpu.memref_slice %arg4[%arg0, %dma_start3A_127, %dma_start3A_128] : memref<2x10000x128xf32, #tpu.memory_space<hbm>> -> memref<1x10000x128xf32, #tpu.memory_space<hbm>>
        %dma_start3A_130 = tpu.memref_squeeze %dma_start3A_129 : memref<1x10000x128xf32, #tpu.memory_space<hbm>> -> memref<10000x128xf32, #tpu.memory_space<hbm>>
        %dma_start3A_131 = arith.constant 0 : i32
        %dma_start3A_132 = arith.constant 0 : i32
        %dma_start3A_133 = tpu.memref_slice %dma_start3A_130[%dma_start3A_131, %dma_start3A_132] : memref<10000x128xf32, #tpu.memory_space<hbm>> -> memref<10000x128xf32, #tpu.memory_space<hbm>>
        tpu.enqueue_indirect_dma source(%dma_start3A_133 : memref<10000x128xf32, #tpu.memory_space<hbm>>) target(%dma_start3A_123 : memref<128x128xf32, #tpu.memory_space<vmem>>) offsets(%dma_start3A_126 : memref<128xi32, #tpu.memory_space<vmem>>) semaphore(%arg11 : memref<!tpu.dma_semaphore, #tpu.memory_space<semaphore_mem>>)
      } else {
      }
      %dma_start3A_107 = arith.constant 0 : i32
      %dma_start3A_108 = arith.constant 0 : i32
      %dma_start3A_109 = tpu.memref_slice %arg9[%rem3A_81, %dma_start3A_107, %dma_start3A_108] : memref<2x128x128xf32, #tpu.memory_space<vmem>> -> memref<1x128x128xf32, #tpu.memory_space<vmem>>
      %dma_start3A_110 = tpu.memref_squeeze %dma_start3A_109 : memref<1x128x128xf32, #tpu.memory_space<vmem>> -> memref<128x128xf32, #tpu.memory_space<vmem>>
      %dma_start3A_111 = arith.constant 0 : i32
      %dma_start3A_112 = tpu.memref_slice %arg8[%scan3A_80, %dma_start3A_111] : memref<40x128xi32, #tpu.memory_space<vmem>> -> memref<1x128xi32, #tpu.memory_space<vmem>>
      %dma_start3A_113 = tpu.memref_squeeze %dma_start3A_112 : memref<1x128xi32, #tpu.memory_space<vmem>> -> memref<128xi32, #tpu.memory_space<vmem>>
      %dma_start3A_114 = arith.constant 0 : i32
      %dma_start3A_115 = arith.constant 0 : i32
      %dma_start3A_116 = tpu.memref_slice %arg10[%dma_start3A_114, %dma_start3A_115] : memref<10240x128xf32, #tpu.memory_space<vmem_shared>> -> memref<10240x128xf32, #tpu.memory_space<vmem_shared>>
      tpu.enqueue_indirect_dma source(%dma_start3A_110 : memref<128x128xf32, #tpu.memory_space<vmem>>) target(%dma_start3A_116 : memref<10240x128xf32, #tpu.memory_space<vmem_shared>>) offsets(%dma_start3A_113 : memref<128xi32, #tpu.memory_space<vmem>>) semaphore(%arg12 : memref<!tpu.dma_semaphore, #tpu.memory_space<semaphore_mem>>) {add = true}
    }
    %scan3A_60 = arith.constant 40 : i32
    %dma_wait3A_61 = arith.constant 1 : i32
    %dma_wait3A_62 = arith.constant 39 : i32
    %dma_wait3A_63 = arith.constant 0 : i32
    %dma_wait3A_64 = arith.constant 0 : i32
    %dma_wait3A_65 = tpu.memref_slice %arg9[%dma_wait3A_61, %dma_wait3A_63, %dma_wait3A_64] : memref<2x128x128xf32, #tpu.memory_space<vmem>> -> memref<1x128x128xf32, #tpu.memory_space<vmem>>
    %dma_wait3A_66 = tpu.memref_squeeze %dma_wait3A_65 : memref<1x128x128xf32, #tpu.memory_space<vmem>> -> memref<128x128xf32, #tpu.memory_space<vmem>>
    %dma_wait3A_67 = arith.constant 0 : i32
    %dma_wait3A_68 = tpu.memref_slice %arg8[%dma_wait3A_62, %dma_wait3A_67] : memref<40x128xi32, #tpu.memory_space<vmem>> -> memref<1x128xi32, #tpu.memory_space<vmem>>
    %dma_wait3A_69 = tpu.memref_squeeze %dma_wait3A_68 : memref<1x128xi32, #tpu.memory_space<vmem>> -> memref<128xi32, #tpu.memory_space<vmem>>
    %dma_wait3A_70 = arith.constant 0 : i32
    %dma_wait3A_71 = arith.constant 0 : i32
    %dma_wait3A_72 = tpu.memref_slice %arg10[%dma_wait3A_70, %dma_wait3A_71] : memref<10240x128xf32, #tpu.memory_space<vmem_shared>> -> memref<10240x128xf32, #tpu.memory_space<vmem_shared>>
    tpu.wait_indirect_dma semaphore(%arg12 : memref<!tpu.dma_semaphore, #tpu.memory_space<semaphore_mem>>) src(%dma_wait3A_66 : memref<128x128xf32, #tpu.memory_space<vmem>>) dst(%dma_wait3A_72 : memref<10240x128xf32, #tpu.memory_space<vmem_shared>>)
    %barrier3A_73 = arith.constant 0 : index
    tpu.barrier barrier_id(%barrier3A_73)
    %lt3A = arith.constant 15 : i32
    %lt3A_74 = arith.cmpi slt, %arg1, %lt3A : i32
    %convert_element_type3A = arith.extui %lt3A_74 : i1 to i32
    %cond3A = arith.constant 0 : i32
    %cond3A_75 = arith.cmpi ne, %convert_element_type3A, %cond3A : i32
    scf.if %cond3A_75 {
      %mul3A_80 = arith.constant 624 : i32
      %mul3A_81 = arith.muli %arg1, %mul3A_80 : i32
      %multiple_of3A_82 = tpu.assume_multiple %mul3A_81, 8 : i32
      "tpu.region"() ({
        %run_scoped3A = tpu.sem_alloc : memref<!tpu.dma_semaphore, #tpu.memory_space<semaphore_mem>>
        %dma_start3A_83 = arith.constant 0 : i32
        %dma_start3A_84 = arith.constant 0 : i32
        %dma_start3A_85 = tpu.memref_slice %arg6[%arg0, %dma_start3A_83, %dma_start3A_84] : memref<2x10000x128xf32, #tpu.memory_space<hbm>> -> memref<1x10000x128xf32, #tpu.memory_space<hbm>>
        %dma_start3A_86 = tpu.memref_squeeze %dma_start3A_85 : memref<1x10000x128xf32, #tpu.memory_space<hbm>> -> memref<10000x128xf32, #tpu.memory_space<hbm>>
        %dma_start3A_87 = arith.constant 0 : i32
        %dma_start3A_88 = tpu.memref_slice %dma_start3A_86[%multiple_of3A_82, %dma_start3A_87] : memref<10000x128xf32, #tpu.memory_space<hbm>> -> memref<624x128xf32, #tpu.memory_space<hbm>>
        %dma_start3A_89 = arith.constant 0 : i32
        %dma_start3A_90 = tpu.memref_slice %arg10[%multiple_of3A_82, %dma_start3A_89] : memref<10240x128xf32, #tpu.memory_space<vmem_shared>> -> memref<624x128xf32, #tpu.memory_space<vmem_shared>>
        tpu.enqueue_dma source(%dma_start3A_90 : memref<624x128xf32, #tpu.memory_space<vmem_shared>>) target(%dma_start3A_88 : memref<624x128xf32, #tpu.memory_space<hbm>>) target_semaphore(%run_scoped3A : memref<!tpu.dma_semaphore, #tpu.memory_space<semaphore_mem>>)
        %dma_wait3A_91 = arith.constant 0 : i32
        %dma_wait3A_92 = arith.constant 0 : i32
        %dma_wait3A_93 = tpu.memref_slice %arg6[%arg0, %dma_wait3A_91, %dma_wait3A_92] : memref<2x10000x128xf32, #tpu.memory_space<hbm>> -> memref<1x10000x128xf32, #tpu.memory_space<hbm>>
        %dma_wait3A_94 = tpu.memref_squeeze %dma_wait3A_93 : memref<1x10000x128xf32, #tpu.memory_space<hbm>> -> memref<10000x128xf32, #tpu.memory_space<hbm>>
        %dma_wait3A_95 = arith.constant 0 : i32
        %dma_wait3A_96 = tpu.memref_slice %dma_wait3A_94[%multiple_of3A_82, %dma_wait3A_95] : memref<10000x128xf32, #tpu.memory_space<hbm>> -> memref<624x128xf32, #tpu.memory_space<hbm>>
        %dma_wait3A_97 = arith.constant 0 : i32
        %dma_wait3A_98 = tpu.memref_slice %arg10[%multiple_of3A_82, %dma_wait3A_97] : memref<10240x128xf32, #tpu.memory_space<vmem_shared>> -> memref<624x128xf32, #tpu.memory_space<vmem_shared>>
        tpu.wait_dma2 semaphore(%run_scoped3A : memref<!tpu.dma_semaphore, #tpu.memory_space<semaphore_mem>>) src(%dma_wait3A_98 : memref<624x128xf32, #tpu.memory_space<vmem_shared>>) dst(%dma_wait3A_96 : memref<624x128xf32, #tpu.memory_space<hbm>>)
        tpu.yield
      }) : () -> ()
    } else {
    }
    %eq3A = arith.constant 15 : i32
    %eq3A_76 = arith.cmpi eq, %arg1, %eq3A : i32
    %convert_element_type3A_77 = arith.extui %eq3A_76 : i1 to i32
    %cond3A_78 = arith.constant 0 : i32
    %cond3A_79 = arith.cmpi ne, %convert_element_type3A_77, %cond3A_78 : i32
    scf.if %cond3A_79 {
      "tpu.region"() ({
        %run_scoped3A = tpu.sem_alloc : memref<!tpu.dma_semaphore, #tpu.memory_space<semaphore_mem>>
        %dma_start3A_80 = arith.constant 0 : i32
        %dma_start3A_81 = arith.constant 0 : i32
        %dma_start3A_82 = tpu.memref_slice %arg6[%arg0, %dma_start3A_80, %dma_start3A_81] : memref<2x10000x128xf32, #tpu.memory_space<hbm>> -> memref<1x10000x128xf32, #tpu.memory_space<hbm>>
        %dma_start3A_83 = tpu.memref_squeeze %dma_start3A_82 : memref<1x10000x128xf32, #tpu.memory_space<hbm>> -> memref<10000x128xf32, #tpu.memory_space<hbm>>
        %dma_start3A_84 = arith.constant 9360 : i32
        %dma_start3A_85 = arith.constant 0 : i32
        %dma_start3A_86 = tpu.memref_slice %dma_start3A_83[%dma_start3A_84, %dma_start3A_85] : memref<10000x128xf32, #tpu.memory_space<hbm>> -> memref<640x128xf32, #tpu.memory_space<hbm>>
        %dma_start3A_87 = arith.constant 9360 : i32
        %dma_start3A_88 = arith.constant 0 : i32
        %dma_start3A_89 = tpu.memref_slice %arg10[%dma_start3A_87, %dma_start3A_88] : memref<10240x128xf32, #tpu.memory_space<vmem_shared>> -> memref<640x128xf32, #tpu.memory_space<vmem_shared>>
        tpu.enqueue_dma source(%dma_start3A_89 : memref<640x128xf32, #tpu.memory_space<vmem_shared>>) target(%dma_start3A_86 : memref<640x128xf32, #tpu.memory_space<hbm>>) target_semaphore(%run_scoped3A : memref<!tpu.dma_semaphore, #tpu.memory_space<semaphore_mem>>)
        %dma_wait3A_90 = arith.constant 0 : i32
        %dma_wait3A_91 = arith.constant 0 : i32
        %dma_wait3A_92 = tpu.memref_slice %arg6[%arg0, %dma_wait3A_90, %dma_wait3A_91] : memref<2x10000x128xf32, #tpu.memory_space<hbm>> -> memref<1x10000x128xf32, #tpu.memory_space<hbm>>
        %dma_wait3A_93 = tpu.memref_squeeze %dma_wait3A_92 : memref<1x10000x128xf32, #tpu.memory_space<hbm>> -> memref<10000x128xf32, #tpu.memory_space<hbm>>
        %dma_wait3A_94 = arith.constant 9360 : i32
        %dma_wait3A_95 = arith.constant 0 : i32
        %dma_wait3A_96 = tpu.memref_slice %dma_wait3A_93[%dma_wait3A_94, %dma_wait3A_95] : memref<10000x128xf32, #tpu.memory_space<hbm>> -> memref<640x128xf32, #tpu.memory_space<hbm>>
        %dma_wait3A_97 = arith.constant 9360 : i32
        %dma_wait3A_98 = arith.constant 0 : i32
        %dma_wait3A_99 = tpu.memref_slice %arg10[%dma_wait3A_97, %dma_wait3A_98] : memref<10240x128xf32, #tpu.memory_space<vmem_shared>> -> memref<640x128xf32, #tpu.memory_space<vmem_shared>>
        tpu.wait_dma2 semaphore(%run_scoped3A : memref<!tpu.dma_semaphore, #tpu.memory_space<semaphore_mem>>) src(%dma_wait3A_99 : memref<640x128xf32, #tpu.memory_space<vmem_shared>>) dst(%dma_wait3A_96 : memref<640x128xf32, #tpu.memory_space<hbm>>)
        tpu.yield
      }) : () -> ()
    } else {
    }
    return
  }
}

module attributes {stable_mosaic.version = 14 : i64} {
  func.func @_tc_pre_body(%arg0: i32, %arg1: memref<1000x256xf32, #tpu.memory_space<vmem>>, %arg2: memref<256x256xf32, #tpu.memory_space<vmem>>, %arg3: memref<2x1000x1xf32, #tpu.memory_space<vmem>>, %arg4: memref<2x1000x128xf32, #tpu.memory_space<vmem>>) attributes {dimension_semantics = [#tpu.dimension_semantics<arbitrary>], iteration_bounds = array<i64: 10>, scalar_prefetch = 0 : i64, scratch_operands = 0 : i64, tpu.core_type = #tpu.core_type<tc>, window_params = [{transform_indices = @transform_0, window_bounds = array<i64: 1000, 256>}, {pipeline_mode = #tpu.pipeline_mode<synchronous>, transform_indices = @transform_1, window_bounds = array<i64: 256, 256>}, {transform_indices = @transform_2, window_bounds = array<i64: 2, 1000, 1>}, {transform_indices = @transform_3, window_bounds = array<i64: 2, 1000, 128>}]} {
    %get3A = arith.constant 0 : index
    %get3A_0 = arith.constant 0 : index
    %get3A_1 = arith.constant 0 : index
    %get3A_2 = vector.load %arg3[%get3A, %get3A_0, %get3A_1] : memref<2x1000x1xf32, #tpu.memory_space<vmem>>, vector<1x1000x1xf32>
    %get3A_3 = vector.shape_cast %get3A_2 : vector<1x1000x1xf32> to vector<1000x1xf32>
    %get3A_4 = arith.constant 0 : index
    %get3A_5 = arith.constant 0 : index
    %get3A_6 = vector.load %arg1[%get3A_4, %get3A_5] : memref<1000x256xf32, #tpu.memory_space<vmem>>, vector<1000x256xf32>
    %get3A_7 = arith.constant 0 : index
    %get3A_8 = arith.constant 0 : index
    %get3A_9 = vector.load %arg2[%get3A_7, %get3A_8] : memref<256x256xf32, #tpu.memory_space<vmem>>, vector<256x256xf32>
    %dot_general3A = arith.constant dense<0.000000e+00> : vector<1000x256xf32>
    %dot_general3A_10 = tpu.matmul %get3A_6, %get3A_9, %dot_general3A {dimension_numbers = #tpu.dot_dimension_numbers<[1], [0], [0], [1], [0, 0, 1, 1], [], []>, transpose_lhs_hint = false} : vector<1000x256xf32>, vector<256x256xf32>, vector<1000x256xf32> -> vector<1000x256xf32>
    %mul3A = vector.broadcast %get3A_3 : vector<1000x1xf32> to vector<1000x256xf32>
    %mul3A_11 = arith.mulf %dot_general3A_10, %mul3A : vector<1000x256xf32>
    %slice3A = vector.extract_strided_slice %mul3A_11 {offsets = [0, 0], sizes = [1000, 128], strides = [1, 1]} : vector<1000x256xf32> to vector<1000x128xf32>
    %swap3A = arith.constant 0 : index
    %swap3A_12 = arith.constant 0 : index
    %swap3A_13 = arith.constant 0 : index
    %swap3A_14 = vector.load %arg4[%swap3A, %swap3A_12, %swap3A_13] : memref<2x1000x128xf32, #tpu.memory_space<vmem>>, vector<1x1000x128xf32>
    %swap3A_15 = vector.shape_cast %swap3A_14 : vector<1x1000x128xf32> to vector<1000x128xf32>
    %swap3A_16 = vector.shape_cast %slice3A : vector<1000x128xf32> to vector<1x1000x128xf32>
    tpu.vector_store %arg4[%swap3A, %swap3A_12, %swap3A_13], %swap3A_16 {strides = array<i32>} : memref<2x1000x128xf32, #tpu.memory_space<vmem>>, vector<1x1000x128xf32>,
    %slice3A_17 = vector.extract_strided_slice %mul3A_11 {offsets = [0, 128], sizes = [1000, 128], strides = [1, 1]} : vector<1000x256xf32> to vector<1000x128xf32>
    %swap3A_18 = arith.constant 1 : index
    %swap3A_19 = arith.constant 0 : index
    %swap3A_20 = arith.constant 0 : index
    %swap3A_21 = vector.load %arg4[%swap3A_18, %swap3A_19, %swap3A_20] : memref<2x1000x128xf32, #tpu.memory_space<vmem>>, vector<1x1000x128xf32>
    %swap3A_22 = vector.shape_cast %swap3A_21 : vector<1x1000x128xf32> to vector<1000x128xf32>
    %swap3A_23 = vector.shape_cast %slice3A_17 : vector<1000x128xf32> to vector<1x1000x128xf32>
    tpu.vector_store %arg4[%swap3A_18, %swap3A_19, %swap3A_20], %swap3A_23 {strides = array<i32>} : memref<2x1000x128xf32, #tpu.memory_space<vmem>>, vector<1x1000x128xf32>,
    return
  }
  func.func @transform_0(%arg0: i32) -> (i32, i32) {
    %c0_i32 = arith.constant 0 : i32
    %c0_i32_0 = arith.constant 0 : i32
    return %arg0, %c0_i32 : i32, i32
  }
  func.func @transform_1(%arg0: i32) -> (i32, i32) {
    %c0_i32 = arith.constant 0 : i32
    %c0_i32_0 = arith.constant 0 : i32
    %c0_i32_1 = arith.constant 0 : i32
    return %c0_i32, %c0_i32_0 : i32, i32
  }
  func.func @transform_2(%arg0: i32) -> (i32, i32, i32) {
    %c0_i32 = arith.constant 0 : i32
    %c0_i32_0 = arith.constant 0 : i32
    %c0_i32_1 = arith.constant 0 : i32
    return %c0_i32, %arg0, %c0_i32_0 : i32, i32, i32
  }
  func.func @transform_3(%arg0: i32) -> (i32, i32, i32) {
    %c0_i32 = arith.constant 0 : i32
    %c0_i32_0 = arith.constant 0 : i32
    %c0_i32_1 = arith.constant 0 : i32
    return %c0_i32, %arg0, %c0_i32_0 : i32, i32, i32
  }
}

module attributes {stable_mosaic.version = 14 : i64} {
  func.func @_normprep_body(%arg0: i32, %arg1: memref<2x80x128xf32, #tpu.memory_space<vmem>>, %arg2: memref<2x10240x1xf32, #tpu.memory_space<vmem>>) attributes {dimension_semantics = [#tpu.dimension_semantics<arbitrary>], iteration_bounds = array<i64: 1>, scalar_prefetch = 0 : i64, scratch_operands = 0 : i64, tpu.core_type = #tpu.core_type<tc>, window_params = [{pipeline_mode = #tpu.pipeline_mode<synchronous>, transform_indices = @transform_0, window_bounds = array<i64: 2, 80, 128>}, {pipeline_mode = #tpu.pipeline_mode<synchronous>, transform_indices = @transform_1, window_bounds = array<i64: 2, 10240, 1>}]} {
    %iota3A = tpu.iota {dimensions = array<i32: 1>} : vector<10240x128xi32>
    %iota3A_0 = tpu.iota {dimensions = array<i32: 0>} : vector<10240x128xi32>
    %rem3A = arith.constant 128 : i32
    %rem3A_1 = vector.broadcast %rem3A : i32 to vector<10240x128xi32>
    %rem3A_2 = arith.remsi %iota3A_0, %rem3A_1 : vector<10240x128xi32>
    %eq3A = arith.cmpi eq, %iota3A, %rem3A_2 : vector<10240x128xi32>
    %get3A = arith.constant 0 : index
    %get3A_3 = arith.constant 0 : index
    %get3A_4 = arith.constant 0 : index
    %get3A_5 = vector.load %arg1[%get3A, %get3A_3, %get3A_4] : memref<2x80x128xf32, #tpu.memory_space<vmem>>, vector<1x80x128xf32>
    %get3A_6 = vector.shape_cast %get3A_5 : vector<1x80x128xf32> to vector<80x128xf32>
    %gt3A = arith.constant 0.000000e+00 : f32
    %gt3A_7 = vector.broadcast %gt3A : f32 to vector<80x128xf32>
    %gt3A_8 = arith.cmpf ogt, %get3A_6, %gt3A_7 : vector<80x128xf32>
    %max3A = arith.constant 9.99999996E-13 : f32
    %max3A_9 = vector.broadcast %max3A : f32 to vector<80x128xf32>
    %max3A_10 = arith.maximumf %get3A_6, %max3A_9 : vector<80x128xf32>
    %rsqrt3A = math.rsqrt %max3A_10 : vector<80x128xf32>
    %jit3A = arith.constant 0.000000e+00 : f32
    %broadcast_in_dim3A = vector.broadcast %jit3A : f32 to vector<80x128xf32>
    %select_n3A = arith.select %gt3A_8, %rsqrt3A, %broadcast_in_dim3A : vector<80x128xi1>, vector<80x128xf32>
    %broadcast_in_dim3A_11 = vector.shape_cast %select_n3A : vector<80x128xf32> to vector<80x1x128xf32>
    %broadcast_in_dim3A_12 = vector.shape_cast %broadcast_in_dim3A_11 : vector<80x1x128xf32> to vector<80x1x128xf32>
    %broadcast_in_dim3A_13 = vector.broadcast %broadcast_in_dim3A_12 : vector<80x1x128xf32> to vector<80x128x128xf32>
    %reshape3A = vector.shape_cast %broadcast_in_dim3A_13 : vector<80x128x128xf32> to vector<10240x128xf32>
    %jit3A_14 = arith.constant 0.000000e+00 : f32
    %broadcast_in_dim3A_15 = vector.broadcast %jit3A_14 : f32 to vector<10240x128xf32>
    %select_n3A_16 = arith.select %eq3A, %reshape3A, %broadcast_in_dim3A_15 : vector<10240x128xi1>, vector<10240x128xf32>
    %reduce_sum3A = arith.constant dense<0.000000e+00> : vector<10240xf32>
    %reduce_sum3A_17 = vector.multi_reduction <add>, %select_n3A_16, %reduce_sum3A [1] : vector<10240x128xf32> to vector<10240xf32>
    %broadcast_in_dim3A_18 = vector.shape_cast %reduce_sum3A_17 : vector<10240xf32> to vector<10240x1xf32>
    %swap3A = arith.constant 0 : index
    %swap3A_19 = arith.constant 0 : index
    %swap3A_20 = arith.constant 0 : index
    %swap3A_21 = vector.load %arg2[%swap3A, %swap3A_19, %swap3A_20] : memref<2x10240x1xf32, #tpu.memory_space<vmem>>, vector<1x10240x1xf32>
    %swap3A_22 = vector.shape_cast %swap3A_21 : vector<1x10240x1xf32> to vector<10240x1xf32>
    %swap3A_23 = vector.shape_cast %broadcast_in_dim3A_18 : vector<10240x1xf32> to vector<1x10240x1xf32>
    tpu.vector_store %arg2[%swap3A, %swap3A_19, %swap3A_20], %swap3A_23 {strides = array<i32>} : memref<2x10240x1xf32, #tpu.memory_space<vmem>>, vector<1x10240x1xf32>,
    %get3A_24 = arith.constant 1 : index
    %get3A_25 = arith.constant 0 : index
    %get3A_26 = arith.constant 0 : index
    %get3A_27 = vector.load %arg1[%get3A_24, %get3A_25, %get3A_26] : memref<2x80x128xf32, #tpu.memory_space<vmem>>, vector<1x80x128xf32>
    %get3A_28 = vector.shape_cast %get3A_27 : vector<1x80x128xf32> to vector<80x128xf32>
    %gt3A_29 = arith.constant 0.000000e+00 : f32
    %gt3A_30 = vector.broadcast %gt3A_29 : f32 to vector<80x128xf32>
    %gt3A_31 = arith.cmpf ogt, %get3A_28, %gt3A_30 : vector<80x128xf32>
    %max3A_32 = arith.constant 9.99999996E-13 : f32
    %max3A_33 = vector.broadcast %max3A_32 : f32 to vector<80x128xf32>
    %max3A_34 = arith.maximumf %get3A_28, %max3A_33 : vector<80x128xf32>
    %rsqrt3A_35 = math.rsqrt %max3A_34 : vector<80x128xf32>
    %jit3A_36 = arith.constant 0.000000e+00 : f32
    %broadcast_in_dim3A_37 = vector.broadcast %jit3A_36 : f32 to vector<80x128xf32>
    %select_n3A_38 = arith.select %gt3A_31, %rsqrt3A_35, %broadcast_in_dim3A_37 : vector<80x128xi1>, vector<80x128xf32>
    %broadcast_in_dim3A_39 = vector.shape_cast %select_n3A_38 : vector<80x128xf32> to vector<80x1x128xf32>
    %broadcast_in_dim3A_40 = vector.shape_cast %broadcast_in_dim3A_39 : vector<80x1x128xf32> to vector<80x1x128xf32>
    %broadcast_in_dim3A_41 = vector.broadcast %broadcast_in_dim3A_40 : vector<80x1x128xf32> to vector<80x128x128xf32>
    %reshape3A_42 = vector.shape_cast %broadcast_in_dim3A_41 : vector<80x128x128xf32> to vector<10240x128xf32>
    %jit3A_43 = arith.constant 0.000000e+00 : f32
    %broadcast_in_dim3A_44 = vector.broadcast %jit3A_43 : f32 to vector<10240x128xf32>
    %select_n3A_45 = arith.select %eq3A, %reshape3A_42, %broadcast_in_dim3A_44 : vector<10240x128xi1>, vector<10240x128xf32>
    %reduce_sum3A_46 = arith.constant dense<0.000000e+00> : vector<10240xf32>
    %reduce_sum3A_47 = vector.multi_reduction <add>, %select_n3A_45, %reduce_sum3A_46 [1] : vector<10240x128xf32> to vector<10240xf32>
    %broadcast_in_dim3A_48 = vector.shape_cast %reduce_sum3A_47 : vector<10240xf32> to vector<10240x1xf32>
    %swap3A_49 = arith.constant 1 : index
    %swap3A_50 = arith.constant 0 : index
    %swap3A_51 = arith.constant 0 : index
    %swap3A_52 = vector.load %arg2[%swap3A_49, %swap3A_50, %swap3A_51] : memref<2x10240x1xf32, #tpu.memory_space<vmem>>, vector<1x10240x1xf32>
    %swap3A_53 = vector.shape_cast %swap3A_52 : vector<1x10240x1xf32> to vector<10240x1xf32>
    %swap3A_54 = vector.shape_cast %broadcast_in_dim3A_48 : vector<10240x1xf32> to vector<1x10240x1xf32>
    tpu.vector_store %arg2[%swap3A_49, %swap3A_50, %swap3A_51], %swap3A_54 {strides = array<i32>} : memref<2x10240x1xf32, #tpu.memory_space<vmem>>, vector<1x10240x1xf32>,
    return
  }
  func.func @transform_0(%arg0: i32) -> (i32, i32, i32) {
    %c0_i32 = arith.constant 0 : i32
    %c0_i32_0 = arith.constant 0 : i32
    %c0_i32_1 = arith.constant 0 : i32
    %c0_i32_2 = arith.constant 0 : i32
    return %c0_i32, %c0_i32_0, %c0_i32_1 : i32, i32, i32
  }
  func.func @transform_1(%arg0: i32) -> (i32, i32, i32) {
    %c0_i32 = arith.constant 0 : i32
    %c0_i32_0 = arith.constant 0 : i32
    %c0_i32_1 = arith.constant 0 : i32
    %c0_i32_2 = arith.constant 0 : i32
    return %c0_i32, %c0_i32_0, %c0_i32_1 : i32, i32, i32
  }
}

module attributes {stable_mosaic.version = 14 : i64} {
  func.func @_tc_mid_body(%arg0: i32, %arg1: memref<2x1000x128xf32, #tpu.memory_space<vmem>>, %arg2: memref<2x1000x1xf32, #tpu.memory_space<vmem>>, %arg3: memref<1x256xf32, #tpu.memory_space<vmem>>, %arg4: memref<256x128xf32, #tpu.memory_space<vmem>>, %arg5: memref<1000x128xf32, #tpu.memory_space<vmem>>) attributes {dimension_semantics = [#tpu.dimension_semantics<arbitrary>], iteration_bounds = array<i64: 10>, scalar_prefetch = 0 : i64, scratch_operands = 0 : i64, tpu.core_type = #tpu.core_type<tc>, window_params = [{transform_indices = @transform_0, window_bounds = array<i64: 2, 1000, 128>}, {transform_indices = @transform_1, window_bounds = array<i64: 2, 1000, 1>}, {pipeline_mode = #tpu.pipeline_mode<synchronous>, transform_indices = @transform_2, window_bounds = array<i64: 1, 256>}, {pipeline_mode = #tpu.pipeline_mode<synchronous>, transform_indices = @transform_3, window_bounds = array<i64: 256, 128>}, {transform_indices = @transform_4, window_bounds = array<i64: 1000, 128>}]} {
    %get3A = arith.constant 0 : index
    %get3A_0 = arith.constant 0 : index
    %get3A_1 = arith.constant 0 : index
    %get3A_2 = vector.load %arg2[%get3A, %get3A_0, %get3A_1] : memref<2x1000x1xf32, #tpu.memory_space<vmem>>, vector<1x1000x1xf32>
    %get3A_3 = vector.shape_cast %get3A_2 : vector<1x1000x1xf32> to vector<1000x1xf32>
    %get3A_4 = arith.constant 1 : index
    %get3A_5 = arith.constant 0 : index
    %get3A_6 = arith.constant 0 : index
    %get3A_7 = vector.load %arg2[%get3A_4, %get3A_5, %get3A_6] : memref<2x1000x1xf32, #tpu.memory_space<vmem>>, vector<1x1000x1xf32>
    %get3A_8 = vector.shape_cast %get3A_7 : vector<1x1000x1xf32> to vector<1000x1xf32>
    %get3A_9 = arith.constant 0 : index
    %get3A_10 = arith.constant 0 : index
    %get3A_11 = arith.constant 0 : index
    %get3A_12 = vector.load %arg1[%get3A_9, %get3A_10, %get3A_11] : memref<2x1000x128xf32, #tpu.memory_space<vmem>>, vector<1x1000x128xf32>
    %get3A_13 = vector.shape_cast %get3A_12 : vector<1x1000x128xf32> to vector<1000x128xf32>
    %get3A_14 = arith.constant 1 : index
    %get3A_15 = arith.constant 0 : index
    %get3A_16 = arith.constant 0 : index
    %get3A_17 = vector.load %arg1[%get3A_14, %get3A_15, %get3A_16] : memref<2x1000x128xf32, #tpu.memory_space<vmem>>, vector<1x1000x128xf32>
    %get3A_18 = vector.shape_cast %get3A_17 : vector<1x1000x128xf32> to vector<1000x128xf32>
    %concatenate3A = tpu.concatenate %get3A_13, %get3A_18 in 1 : vector<1000x128xf32>, vector<1000x128xf32> -> vector<1000x256xf32>
    %mul3A = vector.broadcast %get3A_8 : vector<1000x1xf32> to vector<1000x256xf32>
    %mul3A_19 = arith.mulf %concatenate3A, %mul3A : vector<1000x256xf32>
    %get3A_20 = arith.constant 0 : index
    %get3A_21 = arith.constant 0 : index
    %get3A_22 = vector.load %arg3[%get3A_20, %get3A_21] : memref<1x256xf32, #tpu.memory_space<vmem>>, vector<1x256xf32>
    %add3A = vector.broadcast %get3A_22 : vector<1x256xf32> to vector<1000x256xf32>
    %add3A_23 = arith.addf %mul3A_19, %add3A : vector<1000x256xf32>
    %max3A = arith.constant 0.000000e+00 : f32
    %max3A_24 = vector.broadcast %max3A : f32 to vector<1000x256xf32>
    %max3A_25 = arith.maximumf %add3A_23, %max3A_24 : vector<1000x256xf32>
    %get3A_26 = arith.constant 0 : index
    %get3A_27 = arith.constant 0 : index
    %get3A_28 = vector.load %arg4[%get3A_26, %get3A_27] : memref<256x128xf32, #tpu.memory_space<vmem>>, vector<256x128xf32>
    %dot_general3A = arith.constant dense<0.000000e+00> : vector<1000x128xf32>
    %dot_general3A_29 = tpu.matmul %max3A_25, %get3A_28, %dot_general3A {dimension_numbers = #tpu.dot_dimension_numbers<[1], [0], [0], [1], [0, 0, 1, 1], [], []>, transpose_lhs_hint = false} : vector<1000x256xf32>, vector<256x128xf32>, vector<1000x128xf32> -> vector<1000x128xf32>
    %mul3A_30 = vector.broadcast %get3A_3 : vector<1000x1xf32> to vector<1000x128xf32>
    %mul3A_31 = arith.mulf %dot_general3A_29, %mul3A_30 : vector<1000x128xf32>
    %swap3A = arith.constant 0 : index
    %swap3A_32 = arith.constant 0 : index
    %swap3A_33 = vector.load %arg5[%swap3A, %swap3A_32] : memref<1000x128xf32, #tpu.memory_space<vmem>>, vector<1000x128xf32>
    tpu.vector_store %arg5[%swap3A, %swap3A_32], %mul3A_31 {strides = array<i32>} : memref<1000x128xf32, #tpu.memory_space<vmem>>, vector<1000x128xf32>,
    return
  }
  func.func @transform_0(%arg0: i32) -> (i32, i32, i32) {
    %c0_i32 = arith.constant 0 : i32
    %c0_i32_0 = arith.constant 0 : i32
    %c0_i32_1 = arith.constant 0 : i32
    return %c0_i32, %arg0, %c0_i32_0 : i32, i32, i32
  }
  func.func @transform_1(%arg0: i32) -> (i32, i32, i32) {
    %c0_i32 = arith.constant 0 : i32
    %c0_i32_0 = arith.constant 0 : i32
    %c0_i32_1 = arith.constant 0 : i32
    return %c0_i32, %arg0, %c0_i32_0 : i32, i32, i32
  }
  func.func @transform_2(%arg0: i32) -> (i32, i32) {
    %c0_i32 = arith.constant 0 : i32
    %c0_i32_0 = arith.constant 0 : i32
    %c0_i32_1 = arith.constant 0 : i32
    return %c0_i32, %c0_i32_0 : i32, i32
  }
  func.func @transform_3(%arg0: i32) -> (i32, i32) {
    %c0_i32 = arith.constant 0 : i32
    %c0_i32_0 = arith.constant 0 : i32
    %c0_i32_1 = arith.constant 0 : i32
    return %c0_i32, %c0_i32_0 : i32, i32
  }
  func.func @transform_4(%arg0: i32) -> (i32, i32) {
    %c0_i32 = arith.constant 0 : i32
    %c0_i32_0 = arith.constant 0 : i32
    return %arg0, %c0_i32 : i32, i32
  }
}

module attributes {stable_mosaic.version = 14 : i64} {
  func.func @_tc_post_body(%arg0: i32, %arg1: memref<2x1000x128xf32, #tpu.memory_space<vmem>>, %arg2: memref<2x1000x1xf32, #tpu.memory_space<vmem>>, %arg3: memref<1x128xf32, #tpu.memory_space<vmem>>, %arg4: memref<1000x128xf32, #tpu.memory_space<vmem>>) attributes {dimension_semantics = [#tpu.dimension_semantics<arbitrary>], iteration_bounds = array<i64: 10>, scalar_prefetch = 0 : i64, scratch_operands = 0 : i64, tpu.core_type = #tpu.core_type<tc>, window_params = [{transform_indices = @transform_0, window_bounds = array<i64: 2, 1000, 128>}, {transform_indices = @transform_1, window_bounds = array<i64: 2, 1000, 1>}, {pipeline_mode = #tpu.pipeline_mode<synchronous>, transform_indices = @transform_2, window_bounds = array<i64: 1, 128>}, {transform_indices = @transform_3, window_bounds = array<i64: 1000, 128>}]} {
    %get3A = arith.constant 1 : index
    %get3A_0 = arith.constant 0 : index
    %get3A_1 = arith.constant 0 : index
    %get3A_2 = vector.load %arg2[%get3A, %get3A_0, %get3A_1] : memref<2x1000x1xf32, #tpu.memory_space<vmem>>, vector<1x1000x1xf32>
    %get3A_3 = vector.shape_cast %get3A_2 : vector<1x1000x1xf32> to vector<1000x1xf32>
    %get3A_4 = arith.constant 0 : index
    %get3A_5 = arith.constant 0 : index
    %get3A_6 = arith.constant 0 : index
    %get3A_7 = vector.load %arg1[%get3A_4, %get3A_5, %get3A_6] : memref<2x1000x128xf32, #tpu.memory_space<vmem>>, vector<1x1000x128xf32>
    %get3A_8 = vector.shape_cast %get3A_7 : vector<1x1000x128xf32> to vector<1000x128xf32>
    %get3A_9 = arith.constant 1 : index
    %get3A_10 = arith.constant 0 : index
    %get3A_11 = arith.constant 0 : index
    %get3A_12 = vector.load %arg1[%get3A_9, %get3A_10, %get3A_11] : memref<2x1000x128xf32, #tpu.memory_space<vmem>>, vector<1x1000x128xf32>
    %get3A_13 = vector.shape_cast %get3A_12 : vector<1x1000x128xf32> to vector<1000x128xf32>
    %add3A = arith.addf %get3A_8, %get3A_13 : vector<1000x128xf32>
    %mul3A = vector.broadcast %get3A_3 : vector<1000x1xf32> to vector<1000x128xf32>
    %mul3A_14 = arith.mulf %add3A, %mul3A : vector<1000x128xf32>
    %get3A_15 = arith.constant 0 : index
    %get3A_16 = arith.constant 0 : index
    %get3A_17 = vector.load %arg3[%get3A_15, %get3A_16] : memref<1x128xf32, #tpu.memory_space<vmem>>, vector<1x128xf32>
    %add3A_18 = vector.broadcast %get3A_17 : vector<1x128xf32> to vector<1000x128xf32>
    %add3A_19 = arith.addf %mul3A_14, %add3A_18 : vector<1000x128xf32>
    %swap3A = arith.constant 0 : index
    %swap3A_20 = arith.constant 0 : index
    %swap3A_21 = vector.load %arg4[%swap3A, %swap3A_20] : memref<1000x128xf32, #tpu.memory_space<vmem>>, vector<1000x128xf32>
    tpu.vector_store %arg4[%swap3A, %swap3A_20], %add3A_19 {strides = array<i32>} : memref<1000x128xf32, #tpu.memory_space<vmem>>, vector<1000x128xf32>,
    return
  }
  func.func @transform_0(%arg0: i32) -> (i32, i32, i32) {
    %c0_i32 = arith.constant 0 : i32
    %c0_i32_0 = arith.constant 0 : i32
    %c0_i32_1 = arith.constant 0 : i32
    return %c0_i32, %arg0, %c0_i32_0 : i32, i32, i32
  }
  func.func @transform_1(%arg0: i32) -> (i32, i32, i32) {
    %c0_i32 = arith.constant 0 : i32
    %c0_i32_0 = arith.constant 0 : i32
    %c0_i32_1 = arith.constant 0 : i32
    return %c0_i32, %arg0, %c0_i32_0 : i32, i32, i32
  }
  func.func @transform_2(%arg0: i32) -> (i32, i32) {
    %c0_i32 = arith.constant 0 : i32
    %c0_i32_0 = arith.constant 0 : i32
    %c0_i32_1 = arith.constant 0 : i32
    return %c0_i32, %c0_i32_0 : i32, i32
  }
  func.func @transform_3(%arg0: i32) -> (i32, i32) {
    %c0_i32 = arith.constant 0 : i32
    %c0_i32_0 = arith.constant 0 : i32
    return %arg0, %c0_i32 : i32, i32
  }
}

</mosaic_0001>

<sc_bundles>
// kernel: kernel.12.cloned.1.call-start
scs
__scs_entry_jumppad:
0x0: {  	(pc) =	sbr.rel $0x88, $3  }
0x1: {  	(tag) =	ssettag $0x0;
	lr =	simm.s32 $0x1  }
0x2: {  	[smem:$0x3F9B] =	sst lr;
	_ =	strace $0xD0000000  }
0x3: {  	_ = 	snop  }
0x4: {  	_ = 	snop  }
0x5: {  	_ = 	snop  }
0x6: {  	_ = 	snop  }
0x7: {  	_ = 	snop  }
__scs_overlays_trampoline_lowered:
0x8: {  	[smem:$0x3FAA] =	sst s0  }
0x9: {  	[smem:$0x3FAB] =	sst s1  }
0xa: {  	[smem:$0x3FAC] =	sst s2  }
0xb: {  	[smem:$0x3FAD] =	sst s3  }
0xc: {  	[smem:$0x3FAE] =	sst s4  }
0xd: {  	[smem:$0x3FAF] =	sst s5  }
0xe: {  	[smem:$0x3FB0] =	sst s6  }
0xf: {  	[smem:$0x3FB1] =	sst s7  }
0x10: {  	[smem:$0x3FB2] =	sst s8  }
0x11: {  	[smem:$0x3FB3] =	sst s9;
	s0 =	simm.s32 @!p0 $0x0  }
0x12: {  	s1 =	sld [smem:$0x3F99];
	s0 =	simm.s32 @p0 $0x1  }
0x13: {  	[smem:$0x3FB4] =	sst s0;
	s0 =	simm.s32 @!p1 $0x0  }
0x14: {  	s2 =	sld [smem:$0x3F98];
	s0 =	simm.s32 @p1 $0x1  }
0x15: {  	[smem:$0x3FB5] =	sst s0;
	s0 =	simm.s32 @!p2 $0x0  }
0x16: {  	s3 =	sld [smem:$0x3FDB];
	s0 =	simm.s32 @p2 $0x1  }
0x17: {  	s4 =	simm.s32 $0x1BF5;
	[smem:$0x3FB7] =	sst s0  }
0x18: {  	s0 =	sld [smem:$0x3F9A];
	_ =	swait.ge [sflag:s4], $0x0  }
0x19: {  	s7 =	sld [smem:$0x3F9B]  }
0x1a: {  	s8 =	sadd.s32 $0xFFFFE003, lr  }
0x1b: {  	s9 =	sadd.s32 $0xFFFFFEF7, lr;
	s5 =	simm.s32 $0xFFFFFFFF;
	p2 =	slt.u32 s8, $0xFFFFF086  }
0x1c: {  	p1 =	slt.u32 s9, $0xF7A;
	s5 =	simm.s32 @!p2 $0x0  }
0x1d: {  	s5 =	simm.s32 @p1 $0x1;
	p0 =	seq.s32 s7, s2  }
0x1e: {  	s7 =	smul.u32 @!p0 $0xF7A, s2;
	p2 =	seq.s32 @!p0 s5, $0x0  }
0x1f: {  	s9 =	smul.u32 $0xF7A, s1;
	s8 =	simm.s32 @!p0 $0x1BF5;
	p2 =	por !p2, p0  }
0x20: {  	[sflag:s8] =	ssyncset.s32 @!p0 $0xFFFFF086;
	s6 =	sadd.s32 @!p0 s3, s7;
	s7 =	simm.s32 @!p0 $0x108  }
0x21: {  	s3 =	sadd.s32 s3, s9;
	s6 =	sadd.s32 @!p0 $0x88, s6;
	s7 =	simm.s32 @p2 $0x1082  }
0x22: {  	[simem:s7], [sflag:s8] =	dma.local @!p0 [hbm:s6], $0xF7A  }
0x23: {  	s9 =	sor.u32 $0xD0000000, s2;
	s6 =	simm.s32 $0x108;
	_ =	swait.ge @!p0 [sflag:s8], $0x0  }
0x24: {  	s3 =	sadd.s32 $0x88, s3;
	s6 =	simm.s32 @!p1 $0x1082;
	[sflag:s4] =	ssyncset.s32 $0xFFFFF086  }
0x25: {  	[simem:s6], [sflag:s4] =	dma.local [hbm:s3], $0xF7A  }
0x26: {  	[smem:$0x3F9B] =	sst s1;
	(tag) =	ssettag s2;
	_ =	strace s9  }
0x27: {  	s1 =	sld [smem:$0x3FAB]  }
0x28: {  	s2 =	sld [smem:$0x3FAC]  }
0x29: {  	s4 =	sld [smem:$0x3FAE]  }
0x2a: {  	p0 =	seq.s32 s5, $0x0;
	s5 =	sld [smem:$0x3FAF]  }
0x2b: {  	s6 =	sld [smem:$0x3FB0]  }
0x2c: {  	s7 =	sld [smem:$0x3FB1]  }
0x2d: {  	s3 =	simm.s32 $0x108;
	s8 =	sld [smem:$0x3FB2]  }
0x2e: {  	s3 =	simm.s32 @!p0 $0x1082;
	s9 =	sld [smem:$0x3FB3]  }
0x2f: {  	lr =	sadd.s32 s0, s3;
	s0 =	sld [smem:$0x3FAA]  }
0x30: {  	s3 =	sld [smem:$0x3FAD]  }
0x31: {  	[smem:$0x3FB6] =	sst s10  }
0x32: {  	s10 =	sld [smem:$0x3FB4];
	_ =	sdelay $0x3  }
0x33: {  	p0 =	seq.s32 s10, $0x1;
	s10 =	sld [smem:$0x3FB6];
	_ =	sdelay $0x3  }
0x34: {  	[smem:$0x3FB6] =	sst s10  }
0x35: {  	s10 =	sld [smem:$0x3FB5];
	_ =	sdelay $0x3  }
0x36: {  	p1 =	seq.s32 s10, $0x1;
	s10 =	sld [smem:$0x3FB6];
	_ =	sdelay $0x3  }
0x37: {  	[smem:$0x3FB6] =	sst s10  }
0x38: {  	s10 =	sld [smem:$0x3FB7]  }
0x39: {  	_ = 	snop;
	(pc) =	sbr.ind lr, $3  }
0x3a: {  	_ = 	snop  }
0x3b: {  	_ = 	snop  }
0x3c: {  	p2 =	seq.s32 s10, $0x1;
	s10 =	sld [smem:$0x3FB6]  }
0x3d: {  	_ =	shalt  }
0x3e: {  	_ =	shalt  }
0x3f: {  	_ =	shalt  }
0x40: {  	_ =	shalt  }
0x41: {  	_ =	shalt  }
0x42: {  	_ =	shalt  }
0x43: {  	_ =	shalt  }
0x44: {  	_ =	shalt  }
0x45: {  	_ =	shalt  }
0x46: {  	_ =	shalt  }
0x47: {  	_ =	shalt  }
0x48: {  	_ =	shalt  }
0x49: {  	_ =	shalt  }
0x4a: {  	_ =	shalt  }
0x4b: {  	_ =	shalt  }
0x4c: {  	_ =	shalt  }
0x4d: {  	_ =	shalt  }
0x4e: {  	_ =	shalt  }
0x4f: {  	_ =	shalt  }
0x50: {  	_ =	shalt  }
0x51: {  	_ =	shalt  }
0x52: {  	_ =	shalt  }
0x53: {  	_ =	shalt  }
0x54: {  	_ =	shalt  }
0x55: {  	_ =	shalt  }
0x56: {  	_ =	shalt  }
0x57: {  	_ =	shalt  }
0x58: {  	_ =	shalt  }
0x59: {  	_ =	shalt  }
0x5a: {  	_ =	shalt  }
0x5b: {  	_ =	shalt  }
0x5c: {  	_ =	shalt  }
0x5d: {  	_ =	shalt  }
0x5e: {  	_ =	shalt  }
0x5f: {  	_ =	shalt  }
0x60: {  	_ =	shalt  }
0x61: {  	_ =	shalt  }
0x62: {  	_ =	shalt  }
0x63: {  	_ =	shalt  }
0x64: {  	_ =	shalt  }
0x65: {  	_ =	shalt  }
0x66: {  	_ =	shalt  }
0x67: {  	_ =	shalt  }
0x68: {  	_ =	shalt  }
0x69: {  	_ =	shalt  }
0x6a: {  	_ =	shalt  }
0x6b: {  	_ =	shalt  }
0x6c: {  	_ =	shalt  }
0x6d: {  	_ =	shalt  }
0x6e: {  	_ =	shalt  }
0x6f: {  	_ =	shalt  }
0x70: {  	_ =	shalt  }
0x71: {  	_ =	shalt  }
0x72: {  	_ =	shalt  }
0x73: {  	_ =	shalt  }
0x74: {  	_ =	shalt  }
0x75: {  	_ =	shalt  }
0x76: {  	_ =	shalt  }
0x77: {  	_ =	shalt  }
0x78: {  	_ =	shalt  }
0x79: {  	_ =	shalt  }
0x7a: {  	_ =	shalt  }
0x7b: {  	_ =	shalt  }
0x7c: {  	_ =	shalt  }
0x7d: {  	_ =	shalt  }
0x7e: {  	_ =	shalt  }
0x7f: {  	_ =	shalt  }
0x80: {  	_ =	shalt  }
0x81: {  	_ =	shalt  }
0x82: {  	_ =	shalt  }
0x83: {  	_ =	shalt  }
0x84: {  	_ =	shalt  }
0x85: {  	_ =	shalt  }
0x86: {  	_ =	shalt  }
0x87: {  	_ =	shalt  }
.Lfunc_end0:
.L_simem_size_0:
called_computation.1_lowered:
.L_overlay_start_0:
0x88: {  	s2 =	sld [smem:$0x3FD9]  }
0x89: {  	s3 =	sld [smem:$0x3FFE];
	_ =	sdelay $0x1  }
0x8a: {  	s1 =	srdreg.scid  }
0x8b: {  	s0 =	sand.u32 $0x1, s1  }
0x8c: {  	s16 =	sshll.u32 s0, $0xA;
	s2 =	sadd.s32 s3, s2  }
0x8d: {  	s2 =	sadd.s32 s2, s16  }
0x8e: {  	[smem:$0x3FC2] =	sst s2  }
0x8f: {  	_ = 	snop  }
0x90: {  	(tm) =	ssettm $0x1  }
0x91: {  	s17 =	sld [smem:$0x3FFB];
	_ =	sdelay $0x3  }
0x92: {  	_ =	strace s17  }
0x93: {  	s2 =	sld [smem:$0x3FFC];
	_ =	sdelay $0x3  }
0x94: {  	_ =	strace s2  }
0x95: {  	s2 =	sld [smem:$0x3FFD];
	_ =	sdelay $0x3  }
0x96: {  	_ =	strace s2  }
0x97: {  	_ =	strace $0x8FFFFFFF  }
0x98: {  	s18 =	sld [smem:$0x3FDB];
	_ =	sdelay $0x1  }
0x99: {  	s19 =	simm.s32 $_scs_section_size  }
0x9a: {  	s4 =	simm.s32 $_size__tile_overlayer_lowered;
	s5 =	simm.s32 $_tile_overlayer_lowered  }
0x9b: {  	s22 =	simm.s32 $0x1BFF;
	s21 =	sshll.u32 s5, $0x1;
	s2 =	sadd.s32 s19, s18  }
0x9c: {  	s6 =	simm.s32 $0x0;
	s20 =	sshll.u32 s4, $0x1;
	s4 =	sadd.s32 s21, s2  }
0x9d: {  	[timem:s6], [sflag:s22] =	dma.local [hbm:s4], s20  }
0x9e: {  	_ =	swait.ge [sflag:s22], s20  }
0x9f: {  	s3 =	ssub.s32 $0x0, s20;
	[sflag:s22] =	ssyncset.done $0x0  }
0xa0: {  	[sflag:s22] =	ssyncadd.s32 s3;
	_ =	sdelay $0x1  }
0xa1: {  	s23 =	simm.s32 $0x1B8B  }
0xa2: {  	_ =	swait.ge [sflag:s23], $0x1  }
0xa3: {  	[sflag:s23] =	ssyncset.done $0x0  }
0xa4: {  	s25 =	simm.s32 $0x1B8E;
	s24 =	sld [smem:$0x3FFE];
	[sflag:s23] =	ssyncadd.s32 $0xFFFFFFFF  }
0xa5: {  	s26 =	simm.s32 $execute0_lowered;
	[smem:$0x3FD2] =	sst s25  }
0xa6: {  	s4 =	sshll.u32 s26, $0x1;
	_ =	strace $0x80000049;
	[dreg:$0x1] =	wrdreg $0xFFFFFFFF  }
0xa7: {  	s28 =	simm.s32 $_size_execute0_lowered;
	s2 =	sadd.s32 s2, s4;
	[dreg:$0x0] =	wrdreg $0x0  }
0xa8: {  	s4 =	sshll.u32 s28, $0x1;
	[dreg:$0x2] =	wrdreg s2  }
0xa9: {  	[dreg:$0x3] =	wrdreg s4  }
0xaa: {  	[dreg:$0x4] =	wrdreg $0xC0  }
0xab: {  	_ =	task [dreg:s6], $0x5FFFF  }
0xac: {  	[dreg:$0x1] =	wrdreg $0xFFFFFFFF  }
0xad: {  	[dreg:$0x0] =	wrdreg $0x60  }
0xae: {  	[dreg:$0x2] =	wrdreg s24  }
0xaf: {  	[dreg:$0x3] =	wrdreg $0xA8000  }
0xb0: {  	[dreg:$0x4] =	wrdreg $0x9  }
0xb1: {  	_ =	task.clear_ibuf [dreg:s6], $0x5FFFF;
	_ =	strace $0x90000049  }
0xb2: {  	s29 =	simm.s32 $0x9;
	_ =	strace $0x8000004B  }
0xb3: {  	_ =	swait.ge [sflag:s29], $0x1  }
0xb4: {  	[sflag:s29] =	ssyncadd.s32 $0xFFFFFFFF  }
0xb5: {  	_ =	strace $0x9000004B  }
0xb6: {  	_ =	sfence  }
0xb7: {  	s30 =	sld [smem:$0x0];
	_ =	sdelay $0x2  }
0xb8: {  	s31 =	sshll.u32 s1, $0xD;
	s1 =	sshrl.u32 s1, $0x2  }
0xb9: {  	s3 =	sand.u32 $0x4000, s31;
	s1 =	sadd.s32 s1, s30  }
0xba: {  	s0 =	sor.u32 s3, s0;
	s1 =	sshll.u32 s1, $0x11  }
0xbb: {  	s0 =	sor.u32 s1, s0  }
0xbc: {  	s0 =	sadd.s32 $0x8F2B, s0  }
0xbd: {  	[sflag:s0] =	ssyncadd.remote.s32 $0x1  }
0xbe: {  	_ =	sfence.sel $0xFFFF  }
0xbf: {  	[dreg:$0x0] =	wrdreg $0xFFFFFFFF;
	(pc) =	sbr.abs _section_cstart, $3  }
0xc0: {  	[dreg:$0x1] =	wrdreg $0xFFFFFFFF  }
0xc1: {  	_ =	task.clear_ibuf [dreg:s6], $0x2FFFF;
	_ =	strace $0x9FFFFFFF  }
0xc2: {  	(tm) =	ssettm $0x7FFFFFFF  }
0xc3: {  	_ =	shalt  }
tec
execute0_lowered:
.L_overlay_start_1:
0x0: {  	(tag) =	ssettag $0x1  }
0x1: {  	s5 =	rddreg [dreg:$0x0]  }
0x2: {  	s1 =	rddreg [dreg:$0x1]  }
0x3: {  	s0 =	rddreg [dreg:$0x2]  }
0x4: {  	s2 =	simm.s32 $0x0;
	s3 =	srdreg.scid;
	s16 =	simm.s32 $0x1  }
0x5: {  	s17 =	simm.s32 $0x2780;
	s18 =	simm.s32 $0x2;
	s4 =	sand.u32 $0x1, s3  }
0x6: {  	s19 =	simm.s32 $0x80;
	s3 =	stileid.u32;
	s6 =	smul.u32 $0x27100, s4  }
0x7: {  	s23 =	simm.s32 $0x0;
	[smem:$0x7FF] =	sst s2;
	s8 =	smul.u32 $0x50000, s3  }
0x8: {  	s9 =	sadd.s32 $0x3200, s5;
	s20 =	sadd.s32 $0x124800, s1;
	s28 =	smul.u32 $0x2800, s3  }
0x9: {  	s10 =	sadd.s32 $0x8200, s5;
	_ =	strace $0x8000004A;
	s30 =	smul.u32 $0x500, s3  }
0xa: {  	s7 =	ssub.s32 $0x2, s4;
	s4 =	sadd.s32 $0xD200, s5;
	s14 =	smul.u32 $0x4E000, s3  }
0xb: {  	s29 =	sshll.u32 s3, $0x6;
	s21 =	smul.u32 $0x2700, s3;
	p0 =	seq.s32 s3, $0xF  }
0xc: {  	s25 =	sshrl.u32 s7, $0x1;
	s20 =	sshrl.u32 @p0 s20, $0x3;
	s11 =	sadd.s32 s6, s5  }
0xd: {  	s12 =	ssub.s32 s7, s25;
	s26 =	sshrl.u32 s8, $0x2;
	s5 =	sor.u32 $0x1C03, s29  }
0xe: {  	s31 =	sshrl.u32 s28, $0x3;
	s6 =	sadd.s32 s9, s30;
	s7 =	sadd.s32 s10, s30  }
.Ltmp0:
0xf: {  	s14 =	sshrl.u32 s14, $0x2;
	s13 =	sadd.s32 s26, s1;
	(pc) =	sbr.rel .LBB2_1-.Ltmp0, $4  }
0x10: {  	s15 =	sadd.s32 $0x280, s31;
	s8 =	sadd.s32 $0x5FA00, s11;
	s11 =	sadd.s32 $0xADC00, s11  }
0x11: {  	s22 =	sadd.s32 s14, s1;
	s12 =	smax.u32 s12, $0x1;
	s14 =	simm.s32 $0x3  }
0x12: {  	s9 =	sadd.s32 s9, s15;
	s10 =	sadd.s32 s10, s15;
	s13 =	sshrl.u32 s13, $0x3  }
0x13: {  	s15 =	simm.s32 $0x2800;
	s21 =	sadd.s32 @!p0 s21, s11;
	s22 =	sshrl.u32 @!p0 s22, $0x3  }
.LBB2_7:
0x14: {  	[spmem:s1] =	stream.indirect.scatter.add.f32 [tilespmem:s28], [sflag:$0x2], $0x80, s17, s19, $0xb8;
	[tilespmem:$0x1E800] =	vst v63  }
0x15: {  	_ =	swait.ge [sflag:s18], $0x4000  }
0x16: {  	[sflag:s18] =	ssyncset.done $0x0  }
0x17: {  	[sflag:s18] =	ssyncadd.s32 $0xFFFFC000  }
0x18: {  	s24 =	sadd.s32 @p0 $0x24900, s11;
	[bflag:$0x0] =	sbarrier.arrive $0xFFFF  }
0x19: {  	[hbm:s24], [sflag:s5] =	dma.local @p0 [spmem:s20], $0x2800  }
0x1a: {  	s24 =	simm.s32 @p0 $0x3  }
0x1b: {  	s23 =	sadd.s32 $0x1, s23;
	_ =	swait.ge @p0 [sflag:s24], $0x2800  }
0x1c: {  	p1 =	sne.s32 s23, s12;
	[sflag:s24] =	ssyncset.done @p0 $0x0  }
.Ltmp1:
0x1d: {  	[sflag:s24] =	ssyncadd.s32 @p0 $0xFFFFD800;
	s24 =	simm.s32 @!p0 $0x3;
	(pc) =	sbr.rel @!p1 .LBB2_8-.Ltmp1, $4  }
0x1e: {  	[hbm:s21], [sflag:s5] =	dma.local @!p0 [spmem:s22], $0x2700  }
0x1f: {  	_ =	swait.ge @!p0 [sflag:s24], $0x2700  }
0x20: {  	[sflag:s24] =	ssyncset.done @!p0 $0x0  }
0x21: {  	[sflag:s24] =	ssyncadd.s32 @!p0 $0xFFFFD900  }
.LBB2_1:
0x22: {  	[spmem:s13], [sflag:s5] =	dma.local [hbm:s4], $0x2800  }
0x23: {  	_ =	swait.ge [sflag:s14], $0x2800  }
0x24: {  	[sflag:s14] =	ssyncset.done $0x0  }
0x25: {  	[sflag:s14] =	ssyncadd.s32 $0xFFFFD800  }
0x26: {  	[bflag:$0x0] =	sbarrier.arrive $0xFFFF  }
0x27: {  	[tilespmem:s2], [sflag:$0x3] =	stream.linear.gather [hbm4b:s6+s2], $0x1400, $0x38;
	[tilespmem:$0x1E800] =	vst v63  }
0x28: {  	_ =	swait.ge [sflag:s14], $0x1400  }
0x29: {  	[sflag:s14] =	ssyncset.done $0x0  }
0x2a: {  	s24 =	simm.s32 $0x1400;
	[sflag:s14] =	ssyncadd.s32 $0xFFFFEC00  }
0x2b: {  	[tilespmem:s24], [sflag:$0x3] =	stream.linear.gather [hbm4b:s7+s2], $0x1400, $0x38;
	[tilespmem:$0x1E800] =	vst v63  }
0x2c: {  	_ =	swait.ge [sflag:s14], $0x1400  }
0x2d: {  	[sflag:s14] =	ssyncset.done $0x0  }
0x2e: {  	s25 =	simm.s32 $0x0;
	s26 =	simm.s32 $0x80;
	[sflag:s14] =	ssyncadd.s32 $0xFFFFEC00  }
0x2f: {  	[tilespmem:s15], [sflag:$0x1] =	stream.indirect.gather [hbm4b:s8+s19], $0x80, s2, s19, $0xb8;
	[tilespmem:$0x1E800] =	vst v63  }
.LBB2_2:
0x30: {  	p1 =	seq.s32 s25, $0x0  }
0x31: {  	p2 =	seq.s32 @!p1 s25, $0x27  }
0x32: {  	_ =	swait.ge [sflag:s16], $0x4000;
	p2 =	por p1, !p2  }
.Ltmp2:
0x33: {  	[sflag:s16] =	ssyncset.done $0x0;
	(pc) =	sbr.rel @!p2 .LBB2_4-.Ltmp2, $4  }
0x34: {  	s30 =	simm.s32 @!p1 $0x2;
	[sflag:s16] =	ssyncadd.s32 $0xFFFFC000  }
0x35: {  	s28 =	sand.u32 $0x1, s25;
	_ =	swait.ge @!p1 [sflag:s30], $0x4000  }
0x36: {  	s29 =	sshll.u32 s28, $0xE;
	[sflag:s30] =	ssyncset.done @!p1 $0x0  }
0x37: {  	s28 =	sor.u32 $0x2800, s29;
	[sflag:s30] =	ssyncadd.s32 @!p1 $0xFFFFC000  }
.Ltmp3:
0x38: {  	s29 =	sxor.u32 $0x6800, s29;
	(pc) =	sbr.rel .LBB2_2-.Ltmp3, $4  }
0x39: {  	[tilespmem:s29], [sflag:$0x1] =	stream.indirect.gather [hbm4b:s8+s19], $0x80, s26, s19, $0xb8;
	[tilespmem:$0x1E800] =	vst v63  }
0x3a: {  	_ = 	snop  }
0x3b: {  	[spmem:s1] =	stream.indirect.scatter.add.f32 [tilespmem:s28], [sflag:$0x2], $0x80, s24, s19, $0xb8;
	[tilespmem:$0x1E800] =	vst v63  }
0x3c: {  	s25 =	sadd.s32 $0x1, s25;
	s26 =	sadd.s32 $0x80, s26;
	s24 =	sadd.s32 $0x80, s24  }
.LBB2_4:
0x3d: {  	s24 =	simm.s32 $0x80  }
0x3e: {  	[spmem:s1] =	stream.indirect.scatter.add.f32 [tilespmem:s28], [sflag:$0x2], $0x80, s17, s24, $0xb8;
	[tilespmem:$0x1E800] =	vst v63  }
0x3f: {  	_ =	swait.ge [sflag:s18], $0x4000  }
0x40: {  	[sflag:s18] =	ssyncset.done $0x0  }
0x41: {  	s25 =	simm.s32 $0x0;
	[sflag:s18] =	ssyncadd.s32 $0xFFFFC000  }
0x42: {  	[tilespmem:s25], [sflag:$0x3] =	stream.linear.gather [hbm4b:s9+s25], $0x1400, $0x38;
	[tilespmem:$0x1E800] =	vst v63  }
0x43: {  	_ =	swait.ge [sflag:s14], $0x1400  }
0x44: {  	[sflag:s14] =	ssyncset.done $0x0  }
0x45: {  	s26 =	simm.s32 $0x1400;
	[sflag:s14] =	ssyncadd.s32 $0xFFFFEC00  }
0x46: {  	[tilespmem:s26], [sflag:$0x3] =	stream.linear.gather [hbm4b:s10+s25], $0x1400, $0x38;
	[tilespmem:$0x1E800] =	vst v63  }
0x47: {  	_ =	swait.ge [sflag:s14], $0x1400  }
0x48: {  	[sflag:s14] =	ssyncset.done $0x0  }
0x49: {  	[sflag:s14] =	ssyncadd.s32 $0xFFFFEC00  }
0x4a: {  	[tilespmem:s15], [sflag:$0x1] =	stream.indirect.gather [hbm4b:s8+s24], $0x80, s25, s24, $0xb8;
	[tilespmem:$0x1E800] =	vst v63  }
.LBB2_5:
0x4b: {  	p1 =	seq.s32 s25, $0x0  }
0x4c: {  	p2 =	seq.s32 @!p1 s25, $0x27  }
0x4d: {  	_ =	swait.ge [sflag:s16], $0x4000;
	p2 =	por p1, !p2  }
.Ltmp4:
0x4e: {  	[sflag:s16] =	ssyncset.done $0x0;
	(pc) =	sbr.rel @!p2 .LBB2_7-.Ltmp4, $4  }
0x4f: {  	s30 =	simm.s32 @!p1 $0x2;
	[sflag:s16] =	ssyncadd.s32 $0xFFFFC000  }
0x50: {  	s28 =	sand.u32 $0x1, s25;
	_ =	swait.ge @!p1 [sflag:s30], $0x4000  }
0x51: {  	s29 =	sshll.u32 s28, $0xE;
	[sflag:s30] =	ssyncset.done @!p1 $0x0  }
0x52: {  	s28 =	sor.u32 $0x2800, s29;
	[sflag:s30] =	ssyncadd.s32 @!p1 $0xFFFFC000  }
.Ltmp5:
0x53: {  	s29 =	sxor.u32 $0x6800, s29;
	(pc) =	sbr.rel .LBB2_5-.Ltmp5, $4  }
0x54: {  	[tilespmem:s29], [sflag:$0x1] =	stream.indirect.gather [hbm4b:s8+s19], $0x80, s24, s19, $0xb8;
	[tilespmem:$0x1E800] =	vst v63  }
0x55: {  	_ = 	snop  }
0x56: {  	[spmem:s1] =	stream.indirect.scatter.add.f32 [tilespmem:s28], [sflag:$0x2], $0x80, s26, s19, $0xb8;
	[tilespmem:$0x1E800] =	vst v63  }
0x57: {  	s25 =	sadd.s32 $0x1, s25;
	s24 =	sadd.s32 $0x80, s24;
	s26 =	sadd.s32 $0x80, s26  }
.LBB2_8:
0x58: {  	_ =	sfence.sel $0x180000  }
0x59: {  	[bflag:$0x0] =	sbarrier.arrive $0xFFFF  }
0x5a: {  	p0 =	sne.s32 s3, $0x0;
	_ =	strace $0x9000004A  }
0x5b: {  	s0 =	sadd.s32 @!p0 $0x100000, s0;
	[bflag:$0x2] =	sbarrier.arrive $0xFFFF  }
0x5c: {  	[sflag:s0] =	ssyncadd.tile.s32 @!p0 $0x1;
	_ =	shalt  }
.Lfunc_end2:
_tile_overlayer_lowered:
.L_overlay_start_2:
0x5d: {  	(tag) =	ssettag $0x2  }
0x5e: {  	s0 =	rddreg [dreg:$0x0];
	s2 =	stileid.u32  }
0x5f: {  	s1 =	rddreg [dreg:$0x1];
	p0 =	sne.s32 s2, $0x0  }
0x60: {  	s3 =	rddreg [dreg:$0x2];
	[bflag:$0x3] =	sbarrier.arrive $0xFFFF;
	s2 =	simm.s32 @!p0 $0x1C03  }
0x61: {  	[timem:s3], [sflag:s2] =	dma.local @!p0 [hbm:s0], s1  }
0x62: {  	s0 =	simm.s32 @!p0 $0x3  }
0x63: {  	_ =	swait.ge @!p0 [sflag:s0], s1  }
0x64: {  	s1 =	ssub.s32 @!p0 $0x0, s1;
	[sflag:s0] =	ssyncset.done @!p0 $0x0  }
0x65: {  	[sflag:s0] =	ssyncadd.s32 @!p0 s1  }
0x66: {  	[bflag:$0x3] =	sbarrier.arrive $0xFFFF  }
0x67: {  	_ =	shalt  }

// kernel: kernel.15.cloned.1.call-start
scs
__scs_entry_jumppad:
0x0: {  	(pc) =	sbr.rel $0x88, $3  }
0x1: {  	(tag) =	ssettag $0x0;
	lr =	simm.s32 $0x1  }
0x2: {  	[smem:$0x3F9B] =	sst lr;
	_ =	strace $0xD0000000  }
0x3: {  	_ = 	snop  }
0x4: {  	_ = 	snop  }
0x5: {  	_ = 	snop  }
0x6: {  	_ = 	snop  }
0x7: {  	_ = 	snop  }
__scs_overlays_trampoline_lowered:
0x8: {  	[smem:$0x3FAA] =	sst s0  }
0x9: {  	[smem:$0x3FAB] =	sst s1  }
0xa: {  	[smem:$0x3FAC] =	sst s2  }
0xb: {  	[smem:$0x3FAD] =	sst s3  }
0xc: {  	[smem:$0x3FAE] =	sst s4  }
0xd: {  	[smem:$0x3FAF] =	sst s5  }
0xe: {  	[smem:$0x3FB0] =	sst s6  }
0xf: {  	[smem:$0x3FB1] =	sst s7  }
0x10: {  	[smem:$0x3FB2] =	sst s8  }
0x11: {  	[smem:$0x3FB3] =	sst s9;
	s0 =	simm.s32 @!p0 $0x0  }
0x12: {  	s1 =	sld [smem:$0x3F99];
	s0 =	simm.s32 @p0 $0x1  }
0x13: {  	[smem:$0x3FB4] =	sst s0;
	s0 =	simm.s32 @!p1 $0x0  }
0x14: {  	s2 =	sld [smem:$0x3F98];
	s0 =	simm.s32 @p1 $0x1  }
0x15: {  	[smem:$0x3FB5] =	sst s0;
	s0 =	simm.s32 @!p2 $0x0  }
0x16: {  	s3 =	sld [smem:$0x3FDB];
	s0 =	simm.s32 @p2 $0x1  }
0x17: {  	s4 =	simm.s32 $0x1BF5;
	[smem:$0x3FB7] =	sst s0  }
0x18: {  	s0 =	sld [smem:$0x3F9A];
	_ =	swait.ge [sflag:s4], $0x0  }
0x19: {  	s7 =	sld [smem:$0x3F9B]  }
0x1a: {  	s8 =	sadd.s32 $0xFFFFE003, lr  }
0x1b: {  	s9 =	sadd.s32 $0xFFFFFEF7, lr;
	s5 =	simm.s32 $0xFFFFFFFF;
	p2 =	slt.u32 s8, $0xFFFFF086  }
0x1c: {  	p1 =	slt.u32 s9, $0xF7A;
	s5 =	simm.s32 @!p2 $0x0  }
0x1d: {  	s5 =	simm.s32 @p1 $0x1;
	p0 =	seq.s32 s7, s2  }
0x1e: {  	s7 =	smul.u32 @!p0 $0xF7A, s2;
	p2 =	seq.s32 @!p0 s5, $0x0  }
0x1f: {  	s9 =	smul.u32 $0xF7A, s1;
	s8 =	simm.s32 @!p0 $0x1BF5;
	p2 =	por !p2, p0  }
0x20: {  	[sflag:s8] =	ssyncset.s32 @!p0 $0xFFFFF086;
	s6 =	sadd.s32 @!p0 s3, s7;
	s7 =	simm.s32 @!p0 $0x108  }
0x21: {  	s3 =	sadd.s32 s3, s9;
	s6 =	sadd.s32 @!p0 $0x88, s6;
	s7 =	simm.s32 @p2 $0x1082  }
0x22: {  	[simem:s7], [sflag:s8] =	dma.local @!p0 [hbm:s6], $0xF7A  }
0x23: {  	s9 =	sor.u32 $0xD0000000, s2;
	s6 =	simm.s32 $0x108;
	_ =	swait.ge @!p0 [sflag:s8], $0x0  }
0x24: {  	s3 =	sadd.s32 $0x88, s3;
	s6 =	simm.s32 @!p1 $0x1082;
	[sflag:s4] =	ssyncset.s32 $0xFFFFF086  }
0x25: {  	[simem:s6], [sflag:s4] =	dma.local [hbm:s3], $0xF7A  }
0x26: {  	[smem:$0x3F9B] =	sst s1;
	(tag) =	ssettag s2;
	_ =	strace s9  }
0x27: {  	s1 =	sld [smem:$0x3FAB]  }
0x28: {  	s2 =	sld [smem:$0x3FAC]  }
0x29: {  	s4 =	sld [smem:$0x3FAE]  }
0x2a: {  	p0 =	seq.s32 s5, $0x0;
	s5 =	sld [smem:$0x3FAF]  }
0x2b: {  	s6 =	sld [smem:$0x3FB0]  }
0x2c: {  	s7 =	sld [smem:$0x3FB1]  }
0x2d: {  	s3 =	simm.s32 $0x108;
	s8 =	sld [smem:$0x3FB2]  }
0x2e: {  	s3 =	simm.s32 @!p0 $0x1082;
	s9 =	sld [smem:$0x3FB3]  }
0x2f: {  	lr =	sadd.s32 s0, s3;
	s0 =	sld [smem:$0x3FAA]  }
0x30: {  	s3 =	sld [smem:$0x3FAD]  }
0x31: {  	[smem:$0x3FB6] =	sst s10  }
0x32: {  	s10 =	sld [smem:$0x3FB4];
	_ =	sdelay $0x3  }
0x33: {  	p0 =	seq.s32 s10, $0x1;
	s10 =	sld [smem:$0x3FB6];
	_ =	sdelay $0x3  }
0x34: {  	[smem:$0x3FB6] =	sst s10  }
0x35: {  	s10 =	sld [smem:$0x3FB5];
	_ =	sdelay $0x3  }
0x36: {  	p1 =	seq.s32 s10, $0x1;
	s10 =	sld [smem:$0x3FB6];
	_ =	sdelay $0x3  }
0x37: {  	[smem:$0x3FB6] =	sst s10  }
0x38: {  	s10 =	sld [smem:$0x3FB7]  }
0x39: {  	_ = 	snop;
	(pc) =	sbr.ind lr, $3  }
0x3a: {  	_ = 	snop  }
0x3b: {  	_ = 	snop  }
0x3c: {  	p2 =	seq.s32 s10, $0x1;
	s10 =	sld [smem:$0x3FB6]  }
0x3d: {  	_ =	shalt  }
0x3e: {  	_ =	shalt  }
0x3f: {  	_ =	shalt  }
0x40: {  	_ =	shalt  }
0x41: {  	_ =	shalt  }
0x42: {  	_ =	shalt  }
0x43: {  	_ =	shalt  }
0x44: {  	_ =	shalt  }
0x45: {  	_ =	shalt  }
0x46: {  	_ =	shalt  }
0x47: {  	_ =	shalt  }
0x48: {  	_ =	shalt  }
0x49: {  	_ =	shalt  }
0x4a: {  	_ =	shalt  }
0x4b: {  	_ =	shalt  }
0x4c: {  	_ =	shalt  }
0x4d: {  	_ =	shalt  }
0x4e: {  	_ =	shalt  }
0x4f: {  	_ =	shalt  }
0x50: {  	_ =	shalt  }
0x51: {  	_ =	shalt  }
0x52: {  	_ =	shalt  }
0x53: {  	_ =	shalt  }
0x54: {  	_ =	shalt  }
0x55: {  	_ =	shalt  }
0x56: {  	_ =	shalt  }
0x57: {  	_ =	shalt  }
0x58: {  	_ =	shalt  }
0x59: {  	_ =	shalt  }
0x5a: {  	_ =	shalt  }
0x5b: {  	_ =	shalt  }
0x5c: {  	_ =	shalt  }
0x5d: {  	_ =	shalt  }
0x5e: {  	_ =	shalt  }
0x5f: {  	_ =	shalt  }
0x60: {  	_ =	shalt  }
0x61: {  	_ =	shalt  }
0x62: {  	_ =	shalt  }
0x63: {  	_ =	shalt  }
0x64: {  	_ =	shalt  }
0x65: {  	_ =	shalt  }
0x66: {  	_ =	shalt  }
0x67: {  	_ =	shalt  }
0x68: {  	_ =	shalt  }
0x69: {  	_ =	shalt  }
0x6a: {  	_ =	shalt  }
0x6b: {  	_ =	shalt  }
0x6c: {  	_ =	shalt  }
0x6d: {  	_ =	shalt  }
0x6e: {  	_ =	shalt  }
0x6f: {  	_ =	shalt  }
0x70: {  	_ =	shalt  }
0x71: {  	_ =	shalt  }
0x72: {  	_ =	shalt  }
0x73: {  	_ =	shalt  }
0x74: {  	_ =	shalt  }
0x75: {  	_ =	shalt  }
0x76: {  	_ =	shalt  }
0x77: {  	_ =	shalt  }
0x78: {  	_ =	shalt  }
0x79: {  	_ =	shalt  }
0x7a: {  	_ =	shalt  }
0x7b: {  	_ =	shalt  }
0x7c: {  	_ =	shalt  }
0x7d: {  	_ =	shalt  }
0x7e: {  	_ =	shalt  }
0x7f: {  	_ =	shalt  }
0x80: {  	_ =	shalt  }
0x81: {  	_ =	shalt  }
0x82: {  	_ =	shalt  }
0x83: {  	_ =	shalt  }
0x84: {  	_ =	shalt  }
0x85: {  	_ =	shalt  }
0x86: {  	_ =	shalt  }
0x87: {  	_ =	shalt  }
.Lfunc_end0:
.L_simem_size_0:
called_computation.2_lowered:
.L_overlay_start_0:
0x88: {  	s2 =	sld [smem:$0x3FD9]  }
0x89: {  	s3 =	sld [smem:$0x3FFE];
	_ =	sdelay $0x1  }
0x8a: {  	s1 =	srdreg.scid  }
0x8b: {  	s0 =	sand.u32 $0x1, s1  }
0x8c: {  	s17 =	sshll.u32 s0, $0xA;
	s2 =	sadd.s32 s3, s2  }
0x8d: {  	s2 =	sadd.s32 s2, s17  }
0x8e: {  	[smem:$0x3FC2] =	sst s2  }
0x8f: {  	_ = 	snop  }
0x90: {  	s2 =	sld [smem:$0x3FD0];
	(tm) =	ssettm $0x1  }
0x91: {  	s18 =	sld [smem:$0x3FFB];
	_ =	sdelay $0x3  }
0x92: {  	_ =	strace s18  }
0x93: {  	s3 =	sld [smem:$0x3FFC];
	_ =	sdelay $0x3  }
0x94: {  	_ =	strace s3  }
0x95: {  	s3 =	sld [smem:$0x3FFD];
	_ =	sdelay $0x3  }
0x96: {  	_ =	strace s3  }
0x97: {  	_ =	strace $0x8FFFFFFF  }
0x98: {  	s19 =	sld [smem:$0x3FDB];
	_ =	sdelay $0x1  }
0x99: {  	s4 =	simm.s32 $_scs_section_size  }
0x9a: {  	s5 =	simm.s32 $_size__tile_overlayer_lowered;
	s6 =	simm.s32 $_tile_overlayer_lowered  }
0x9b: {  	s22 =	simm.s32 $0x1BFF;
	s21 =	sshll.u32 s6, $0x1;
	s3 =	sadd.s32 s4, s19  }
0x9c: {  	s7 =	simm.s32 $0x0;
	s20 =	sshll.u32 s5, $0x1;
	s5 =	sadd.s32 s21, s3  }
0x9d: {  	[timem:s7], [sflag:s22] =	dma.local [hbm:s5], s20  }
0x9e: {  	_ =	swait.ge [sflag:s22], s20  }
0x9f: {  	s4 =	ssub.s32 $0x0, s20;
	[sflag:s22] =	ssyncset.done $0x0  }
0xa0: {  	[sflag:s22] =	ssyncadd.s32 s4;
	_ =	sdelay $0x1  }
0xa1: {  	s23 =	simm.s32 $0x1B8B  }
0xa2: {  	_ =	swait.ge [sflag:s23], $0x1  }
0xa3: {  	[sflag:s23] =	ssyncset.done $0x0  }
0xa4: {  	s25 =	simm.s32 $0x1B8E;
	s24 =	sld [smem:$0x3FFE];
	[sflag:s23] =	ssyncadd.s32 $0xFFFFFFFF  }
0xa5: {  	s26 =	simm.s32 $execute0_lowered;
	[smem:$0x3FD2] =	sst s25  }
0xa6: {  	s5 =	sshll.u32 s26, $0x1;
	_ =	strace $0x8000004C;
	[dreg:$0x1] =	wrdreg $0xFFFFFFFF  }
0xa7: {  	s28 =	simm.s32 $_size_execute0_lowered;
	s3 =	sadd.s32 s3, s5;
	[dreg:$0x0] =	wrdreg $0x0  }
0xa8: {  	s5 =	sshll.u32 s28, $0x1;
	[dreg:$0x2] =	wrdreg s3  }
0xa9: {  	[dreg:$0x3] =	wrdreg s5  }
0xaa: {  	[dreg:$0x4] =	wrdreg $0xC0  }
0xab: {  	_ =	task [dreg:s7], $0x5FFFF  }
0xac: {  	[dreg:$0x1] =	wrdreg $0xFFFFFFFF  }
0xad: {  	[dreg:$0x0] =	wrdreg $0x60  }
0xae: {  	[dreg:$0x2] =	wrdreg s24  }
0xaf: {  	[dreg:$0x3] =	wrdreg s2  }
0xb0: {  	[dreg:$0x4] =	wrdreg $0xA8000  }
0xb1: {  	[dreg:$0x5] =	wrdreg $0x9  }
0xb2: {  	_ =	task.clear_ibuf [dreg:s7], $0x6FFFF;
	_ =	strace $0x9000004C  }
0xb3: {  	s29 =	simm.s32 $0x9;
	_ =	strace $0x8000004E  }
0xb4: {  	_ =	swait.ge [sflag:s29], $0x1  }
0xb5: {  	[sflag:s29] =	ssyncadd.s32 $0xFFFFFFFF  }
0xb6: {  	_ =	strace $0x9000004E  }
0xb7: {  	_ =	sfence  }
0xb8: {  	s30 =	sld [smem:$0x0];
	_ =	sdelay $0x2  }
0xb9: {  	s31 =	sshll.u32 s1, $0xD;
	s1 =	sshrl.u32 s1, $0x2  }
0xba: {  	s3 =	sand.u32 $0x4000, s31;
	s1 =	sadd.s32 s1, s30  }
0xbb: {  	s0 =	sor.u32 s3, s0;
	s1 =	sshll.u32 s1, $0x11  }
0xbc: {  	s0 =	sor.u32 s1, s0  }
0xbd: {  	s0 =	sadd.s32 $0x8F2B, s0  }
0xbe: {  	[sflag:s0] =	ssyncadd.remote.s32 $0x1  }
0xbf: {  	_ =	sfence.sel $0xFFFF  }
0xc0: {  	[dreg:$0x0] =	wrdreg $0xFFFFFFFF;
	(pc) =	sbr.abs _section_cstart, $3  }
0xc1: {  	[dreg:$0x1] =	wrdreg $0xFFFFFFFF  }
0xc2: {  	_ =	task.clear_ibuf [dreg:s7], $0x2FFFF;
	_ =	strace $0x9FFFFFFF  }
0xc3: {  	(tm) =	ssettm $0x7FFFFFFF  }
tec
execute0_lowered:
.L_overlay_start_1:
0x0: {  	(tag) =	ssettag $0x1  }
0x1: {  	s6 =	rddreg [dreg:$0x0]  }
0x2: {  	s2 =	rddreg [dreg:$0x1]  }
0x3: {  	s0 =	srdreg.scid;
	s3 =	rddreg [dreg:$0x2]  }
0x4: {  	s1 =	rddreg [dreg:$0x3];
	s4 =	simm.s32 $0x0;
	s5 =	sand.u32 $0x1, s0  }
0x5: {  	s15 =	simm.s32 $0x2780;
	s0 =	stileid.u32;
	s7 =	smul.u32 $0x280, s5  }
0x6: {  	[smem:$0x7FF] =	sst s4;
	s18 =	sadd.s32 $0x124800, s3;
	s8 =	smul.u32 $0x28, s0  }
0x7: {  	s16 =	simm.s32 $0x2;
	_ =	strace $0x8000004D;
	s25 =	smul.u32 $0x27100, s5  }
0x8: {  	s26 =	ssub.s32 $0x2, s5;
	s10 =	smul.u32 $0x50000, s0;
	s5 =	sadd.s32 $0xD200, s6  }
0x9: {  	s30 =	sshll.u32 s0, $0x6;
	s12 =	smul.u32 $0x4E000, s0;
	p0 =	seq.s32 s0, $0xF  }
0xa: {  	s21 =	smul.u32 $0x2700, s0;
	s28 =	sshrl.u32 s26, $0x1;
	s18 =	sshrl.u32 @p0 s18, $0x3  }
0xb: {  	s7 =	sadd.s32 s8, s7;
	s11 =	sadd.s32 s25, s6;
	s29 =	sshrl.u32 s10, $0x2  }
0xc: {  	s13 =	ssub.s32 s26, s28;
	s31 =	sshrl.u32 s12, $0x2;
	s12 =	simm.s32 $0x2800  }
0xd: {  	s7 =	sshll.u32 s7, $0x4;
	s14 =	sadd.s32 s29, s3;
	s19 =	sadd.s32 $0x5FA00, s11  }
.Ltmp0:
0xe: {  	s20 =	sadd.s32 s31, s3;
	s11 =	simm.s32 $0x3;
	(pc) =	sbr.rel .LBB2_1-.Ltmp0, $4  }
0xf: {  	s9 =	sadd.s32 s7, s6;
	s6 =	sor.u32 $0x1C03, s30;
	s10 =	sshrl.u32 s14, $0x3  }
0x10: {  	s14 =	simm.s32 $0x80;
	s17 =	sadd.s32 @p0 $0x24900, s19;
	s19 =	sadd.s32 @!p0 s21, s19  }
0x11: {  	s20 =	sshrl.u32 @!p0 s20, $0x3;
	s21 =	simm.s32 $0x0;
	s7 =	sadd.s32 $0x3200, s9  }
0x12: {  	s8 =	sadd.s32 $0x8200, s9;
	s9 =	smax.u32 s13, $0x1;
	s13 =	simm.s32 $0x1  }
.LBB2_4:
0x13: {  	[spmem:s3] =	stream.indirect.scatter.add.f32 [tilespmem:s25], [sflag:$0x2], $0x80, s15, s14, $0xb8;
	[tilespmem:$0x1E800] =	vst v63  }
0x14: {  	_ =	swait.ge [sflag:s16], $0x4000  }
0x15: {  	[sflag:s16] =	ssyncset.done $0x0  }
0x16: {  	[sflag:s16] =	ssyncadd.s32 $0xFFFFC000  }
0x17: {  	s22 =	simm.s32 @p0 $0x3;
	[bflag:$0x0] =	sbarrier.arrive $0xFFFF  }
0x18: {  	[hbm:s17], [sflag:s6] =	dma.local @p0 [spmem:s18], $0x2800  }
0x19: {  	s21 =	sadd.s32 $0x1, s21;
	_ =	swait.ge @p0 [sflag:s22], $0x2800  }
0x1a: {  	p1 =	sne.s32 s21, s9;
	[sflag:s22] =	ssyncset.done @p0 $0x0  }
.Ltmp1:
0x1b: {  	[sflag:s22] =	ssyncadd.s32 @p0 $0xFFFFD800;
	s22 =	simm.s32 @!p0 $0x3;
	(pc) =	sbr.rel @!p1 .LBB2_5-.Ltmp1, $4  }
0x1c: {  	[hbm:s19], [sflag:s6] =	dma.local @!p0 [spmem:s20], $0x2700  }
0x1d: {  	_ =	swait.ge @!p0 [sflag:s22], $0x2700  }
0x1e: {  	[sflag:s22] =	ssyncset.done @!p0 $0x0  }
0x1f: {  	[sflag:s22] =	ssyncadd.s32 @!p0 $0xFFFFD900  }
.LBB2_1:
0x20: {  	[spmem:s10], [sflag:s6] =	dma.local [hbm:s5], $0x2800  }
0x21: {  	_ =	swait.ge [sflag:s11], $0x2800  }
0x22: {  	[sflag:s11] =	ssyncset.done $0x0  }
0x23: {  	[sflag:s11] =	ssyncadd.s32 $0xFFFFD800  }
0x24: {  	[bflag:$0x0] =	sbarrier.arrive $0xFFFF  }
0x25: {  	[tilespmem:s4], [sflag:$0x3] =	stream.linear.gather [hbm4b:s7+s4], $0x1400, $0x38;
	[tilespmem:$0x1E800] =	vst v63  }
0x26: {  	_ =	swait.ge [sflag:s11], $0x1400  }
0x27: {  	[sflag:s11] =	ssyncset.done $0x0  }
0x28: {  	s22 =	simm.s32 $0x1400;
	[sflag:s11] =	ssyncadd.s32 $0xFFFFEC00  }
0x29: {  	[tilespmem:s22], [sflag:$0x3] =	stream.linear.gather [hbm4b:s8+s4], $0x1400, $0x38;
	[tilespmem:$0x1E800] =	vst v63  }
0x2a: {  	_ =	swait.ge [sflag:s11], $0x1400  }
0x2b: {  	[sflag:s11] =	ssyncset.done $0x0  }
0x2c: {  	s23 =	simm.s32 $0x0;
	s24 =	simm.s32 $0x80;
	[sflag:s11] =	ssyncadd.s32 $0xFFFFEC00  }
0x2d: {  	[tilespmem:s12], [sflag:$0x1] =	stream.indirect.gather [hbm4b:s2+s14], $0x80, s4, s14, $0xb8;
	[tilespmem:$0x1E800] =	vst v63  }
.LBB2_2:
0x2e: {  	p1 =	seq.s32 s23, $0x0  }
0x2f: {  	p2 =	seq.s32 @!p1 s23, $0x27  }
0x30: {  	_ =	swait.ge [sflag:s13], $0x4000;
	p2 =	por p1, !p2  }
.Ltmp2:
0x31: {  	[sflag:s13] =	ssyncset.done $0x0;
	(pc) =	sbr.rel @!p2 .LBB2_4-.Ltmp2, $4  }
0x32: {  	s28 =	simm.s32 @!p1 $0x2;
	[sflag:s13] =	ssyncadd.s32 $0xFFFFC000  }
0x33: {  	s25 =	sand.u32 $0x1, s23;
	_ =	swait.ge @!p1 [sflag:s28], $0x4000  }
0x34: {  	s26 =	sshll.u32 s25, $0xE;
	[sflag:s28] =	ssyncset.done @!p1 $0x0  }
0x35: {  	s25 =	sor.u32 $0x2800, s26;
	[sflag:s28] =	ssyncadd.s32 @!p1 $0xFFFFC000  }
.Ltmp3:
0x36: {  	s26 =	sxor.u32 $0x6800, s26;
	(pc) =	sbr.rel .LBB2_2-.Ltmp3, $4  }
0x37: {  	[tilespmem:s26], [sflag:$0x1] =	stream.indirect.gather [hbm4b:s2+s14], $0x80, s24, s14, $0xb8;
	[tilespmem:$0x1E800] =	vst v63  }
0x38: {  	_ = 	snop  }
0x39: {  	[spmem:s3] =	stream.indirect.scatter.add.f32 [tilespmem:s25], [sflag:$0x2], $0x80, s22, s14, $0xb8;
	[tilespmem:$0x1E800] =	vst v63  }
0x3a: {  	s23 =	sadd.s32 $0x1, s23;
	s24 =	sadd.s32 $0x80, s24;
	s22 =	sadd.s32 $0x80, s22  }
.LBB2_5:
0x3b: {  	_ =	sfence.sel $0x180000  }
0x3c: {  	[bflag:$0x0] =	sbarrier.arrive $0xFFFF  }
0x3d: {  	p0 =	sne.s32 s0, $0x0;
	_ =	strace $0x9000004D  }
0x3e: {  	s0 =	sadd.s32 @!p0 $0x100000, s1;
	[bflag:$0x2] =	sbarrier.arrive $0xFFFF  }
0x3f: {  	[sflag:s0] =	ssyncadd.tile.s32 @!p0 $0x1;
	_ =	shalt  }
.Lfunc_end2:
_tile_overlayer_lowered:
.L_overlay_start_2:
0x40: {  	(tag) =	ssettag $0x2  }
0x41: {  	s0 =	rddreg [dreg:$0x0];
	s2 =	stileid.u32  }
0x42: {  	s1 =	rddreg [dreg:$0x1];
	p0 =	sne.s32 s2, $0x0  }
0x43: {  	s3 =	rddreg [dreg:$0x2];
	[bflag:$0x3] =	sbarrier.arrive $0xFFFF;
	s2 =	simm.s32 @!p0 $0x1C03  }
0x44: {  	[timem:s3], [sflag:s2] =	dma.local @!p0 [hbm:s0], s1  }
0x45: {  	s0 =	simm.s32 @!p0 $0x3  }
0x46: {  	_ =	swait.ge @!p0 [sflag:s0], s1  }
0x47: {  	s1 =	ssub.s32 @!p0 $0x0, s1;
	[sflag:s0] =	ssyncset.done @!p0 $0x0  }
0x48: {  	[sflag:s0] =	ssyncadd.s32 @!p0 s1  }
0x49: {  	[bflag:$0x3] =	sbarrier.arrive $0xFFFF  }
0x4a: {  	_ =	shalt  }

// kernel: kernel.9.cloned.1.call-start
scs
__scs_entry_jumppad:
0x0: {  	(pc) =	sbr.rel $0x88, $3  }
0x1: {  	(tag) =	ssettag $0x0;
	lr =	simm.s32 $0x1  }
0x2: {  	[smem:$0x3F9B] =	sst lr;
	_ =	strace $0xD0000000  }
0x3: {  	_ = 	snop  }
0x4: {  	_ = 	snop  }
0x5: {  	_ = 	snop  }
0x6: {  	_ = 	snop  }
0x7: {  	_ = 	snop  }
__scs_overlays_trampoline_lowered:
0x8: {  	[smem:$0x3FAA] =	sst s0  }
0x9: {  	[smem:$0x3FAB] =	sst s1  }
0xa: {  	[smem:$0x3FAC] =	sst s2  }
0xb: {  	[smem:$0x3FAD] =	sst s3  }
0xc: {  	[smem:$0x3FAE] =	sst s4  }
0xd: {  	[smem:$0x3FAF] =	sst s5  }
0xe: {  	[smem:$0x3FB0] =	sst s6  }
0xf: {  	[smem:$0x3FB1] =	sst s7  }
0x10: {  	[smem:$0x3FB2] =	sst s8  }
0x11: {  	[smem:$0x3FB3] =	sst s9;
	s0 =	simm.s32 @!p0 $0x0  }
0x12: {  	s1 =	sld [smem:$0x3F99];
	s0 =	simm.s32 @p0 $0x1  }
0x13: {  	[smem:$0x3FB4] =	sst s0;
	s0 =	simm.s32 @!p1 $0x0  }
0x14: {  	s2 =	sld [smem:$0x3F98];
	s0 =	simm.s32 @p1 $0x1  }
0x15: {  	[smem:$0x3FB5] =	sst s0;
	s0 =	simm.s32 @!p2 $0x0  }
0x16: {  	s3 =	sld [smem:$0x3FDB];
	s0 =	simm.s32 @p2 $0x1  }
0x17: {  	s4 =	simm.s32 $0x1BF5;
	[smem:$0x3FB7] =	sst s0  }
0x18: {  	s0 =	sld [smem:$0x3F9A];
	_ =	swait.ge [sflag:s4], $0x0  }
0x19: {  	s7 =	sld [smem:$0x3F9B]  }
0x1a: {  	s8 =	sadd.s32 $0xFFFFE003, lr  }
0x1b: {  	s9 =	sadd.s32 $0xFFFFFEF7, lr;
	s5 =	simm.s32 $0xFFFFFFFF;
	p2 =	slt.u32 s8, $0xFFFFF086  }
0x1c: {  	p1 =	slt.u32 s9, $0xF7A;
	s5 =	simm.s32 @!p2 $0x0  }
0x1d: {  	s5 =	simm.s32 @p1 $0x1;
	p0 =	seq.s32 s7, s2  }
0x1e: {  	s7 =	smul.u32 @!p0 $0xF7A, s2;
	p2 =	seq.s32 @!p0 s5, $0x0  }
0x1f: {  	s9 =	smul.u32 $0xF7A, s1;
	s8 =	simm.s32 @!p0 $0x1BF5;
	p2 =	por !p2, p0  }
0x20: {  	[sflag:s8] =	ssyncset.s32 @!p0 $0xFFFFF086;
	s6 =	sadd.s32 @!p0 s3, s7;
	s7 =	simm.s32 @!p0 $0x108  }
0x21: {  	s3 =	sadd.s32 s3, s9;
	s6 =	sadd.s32 @!p0 $0x88, s6;
	s7 =	simm.s32 @p2 $0x1082  }
0x22: {  	[simem:s7], [sflag:s8] =	dma.local @!p0 [hbm:s6], $0xF7A  }
0x23: {  	s9 =	sor.u32 $0xD0000000, s2;
	s6 =	simm.s32 $0x108;
	_ =	swait.ge @!p0 [sflag:s8], $0x0  }
0x24: {  	s3 =	sadd.s32 $0x88, s3;
	s6 =	simm.s32 @!p1 $0x1082;
	[sflag:s4] =	ssyncset.s32 $0xFFFFF086  }
0x25: {  	[simem:s6], [sflag:s4] =	dma.local [hbm:s3], $0xF7A  }
0x26: {  	[smem:$0x3F9B] =	sst s1;
	(tag) =	ssettag s2;
	_ =	strace s9  }
0x27: {  	s1 =	sld [smem:$0x3FAB]  }
0x28: {  	s2 =	sld [smem:$0x3FAC]  }
0x29: {  	s4 =	sld [smem:$0x3FAE]  }
0x2a: {  	p0 =	seq.s32 s5, $0x0;
	s5 =	sld [smem:$0x3FAF]  }
0x2b: {  	s6 =	sld [smem:$0x3FB0]  }
0x2c: {  	s7 =	sld [smem:$0x3FB1]  }
0x2d: {  	s3 =	simm.s32 $0x108;
	s8 =	sld [smem:$0x3FB2]  }
0x2e: {  	s3 =	simm.s32 @!p0 $0x1082;
	s9 =	sld [smem:$0x3FB3]  }
0x2f: {  	lr =	sadd.s32 s0, s3;
	s0 =	sld [smem:$0x3FAA]  }
0x30: {  	s3 =	sld [smem:$0x3FAD]  }
0x31: {  	[smem:$0x3FB6] =	sst s10  }
0x32: {  	s10 =	sld [smem:$0x3FB4];
	_ =	sdelay $0x3  }
0x33: {  	p0 =	seq.s32 s10, $0x1;
	s10 =	sld [smem:$0x3FB6];
	_ =	sdelay $0x3  }
0x34: {  	[smem:$0x3FB6] =	sst s10  }
0x35: {  	s10 =	sld [smem:$0x3FB5];
	_ =	sdelay $0x3  }
0x36: {  	p1 =	seq.s32 s10, $0x1;
	s10 =	sld [smem:$0x3FB6];
	_ =	sdelay $0x3  }
0x37: {  	[smem:$0x3FB6] =	sst s10  }
0x38: {  	s10 =	sld [smem:$0x3FB7]  }
0x39: {  	_ = 	snop;
	(pc) =	sbr.ind lr, $3  }
0x3a: {  	_ = 	snop  }
0x3b: {  	_ = 	snop  }
0x3c: {  	p2 =	seq.s32 s10, $0x1;
	s10 =	sld [smem:$0x3FB6]  }
0x3d: {  	_ =	shalt  }
0x3e: {  	_ =	shalt  }
0x3f: {  	_ =	shalt  }
0x40: {  	_ =	shalt  }
0x41: {  	_ =	shalt  }
0x42: {  	_ =	shalt  }
0x43: {  	_ =	shalt  }
0x44: {  	_ =	shalt  }
0x45: {  	_ =	shalt  }
0x46: {  	_ =	shalt  }
0x47: {  	_ =	shalt  }
0x48: {  	_ =	shalt  }
0x49: {  	_ =	shalt  }
0x4a: {  	_ =	shalt  }
0x4b: {  	_ =	shalt  }
0x4c: {  	_ =	shalt  }
0x4d: {  	_ =	shalt  }
0x4e: {  	_ =	shalt  }
0x4f: {  	_ =	shalt  }
0x50: {  	_ =	shalt  }
0x51: {  	_ =	shalt  }
0x52: {  	_ =	shalt  }
0x53: {  	_ =	shalt  }
0x54: {  	_ =	shalt  }
0x55: {  	_ =	shalt  }
0x56: {  	_ =	shalt  }
0x57: {  	_ =	shalt  }
0x58: {  	_ =	shalt  }
0x59: {  	_ =	shalt  }
0x5a: {  	_ =	shalt  }
0x5b: {  	_ =	shalt  }
0x5c: {  	_ =	shalt  }
0x5d: {  	_ =	shalt  }
0x5e: {  	_ =	shalt  }
0x5f: {  	_ =	shalt  }
0x60: {  	_ =	shalt  }
0x61: {  	_ =	shalt  }
0x62: {  	_ =	shalt  }
0x63: {  	_ =	shalt  }
0x64: {  	_ =	shalt  }
0x65: {  	_ =	shalt  }
0x66: {  	_ =	shalt  }
0x67: {  	_ =	shalt  }
0x68: {  	_ =	shalt  }
0x69: {  	_ =	shalt  }
0x6a: {  	_ =	shalt  }
0x6b: {  	_ =	shalt  }
0x6c: {  	_ =	shalt  }
0x6d: {  	_ =	shalt  }
0x6e: {  	_ =	shalt  }
0x6f: {  	_ =	shalt  }
0x70: {  	_ =	shalt  }
0x71: {  	_ =	shalt  }
0x72: {  	_ =	shalt  }
0x73: {  	_ =	shalt  }
0x74: {  	_ =	shalt  }
0x75: {  	_ =	shalt  }
0x76: {  	_ =	shalt  }
0x77: {  	_ =	shalt  }
0x78: {  	_ =	shalt  }
0x79: {  	_ =	shalt  }
0x7a: {  	_ =	shalt  }
0x7b: {  	_ =	shalt  }
0x7c: {  	_ =	shalt  }
0x7d: {  	_ =	shalt  }
0x7e: {  	_ =	shalt  }
0x7f: {  	_ =	shalt  }
0x80: {  	_ =	shalt  }
0x81: {  	_ =	shalt  }
0x82: {  	_ =	shalt  }
0x83: {  	_ =	shalt  }
0x84: {  	_ =	shalt  }
0x85: {  	_ =	shalt  }
0x86: {  	_ =	shalt  }
0x87: {  	_ =	shalt  }
.Lfunc_end0:
.L_simem_size_0:
called_computation_lowered:
.L_overlay_start_0:
0x88: {  	s2 =	sld [smem:$0x3FD9]  }
0x89: {  	s3 =	sld [smem:$0x3FFE];
	_ =	sdelay $0x1  }
0x8a: {  	s1 =	srdreg.scid  }
0x8b: {  	s0 =	sand.u32 $0x1, s1  }
0x8c: {  	s17 =	sshll.u32 s0, $0xA;
	s2 =	sadd.s32 s3, s2  }
0x8d: {  	s2 =	sadd.s32 s2, s17  }
0x8e: {  	[smem:$0x3FC2] =	sst s2  }
0x8f: {  	_ = 	snop  }
0x90: {  	s2 =	sld [smem:$0x3FD0];
	(tm) =	ssettm $0x1  }
0x91: {  	s18 =	sld [smem:$0x3FFB];
	_ =	sdelay $0x3  }
0x92: {  	_ =	strace s18  }
0x93: {  	s3 =	sld [smem:$0x3FFC];
	_ =	sdelay $0x3  }
0x94: {  	_ =	strace s3  }
0x95: {  	s3 =	sld [smem:$0x3FFD];
	_ =	sdelay $0x3  }
0x96: {  	_ =	strace s3  }
0x97: {  	_ =	strace $0x8FFFFFFF  }
0x98: {  	s19 =	sld [smem:$0x3FDB];
	_ =	sdelay $0x1  }
0x99: {  	s4 =	simm.s32 $_scs_section_size  }
0x9a: {  	s5 =	simm.s32 $_size__tile_overlayer_lowered;
	s6 =	simm.s32 $_tile_overlayer_lowered  }
0x9b: {  	s22 =	simm.s32 $0x1BFF;
	s21 =	sshll.u32 s6, $0x1;
	s3 =	sadd.s32 s4, s19  }
0x9c: {  	s7 =	simm.s32 $0x0;
	s20 =	sshll.u32 s5, $0x1;
	s5 =	sadd.s32 s21, s3  }
0x9d: {  	[timem:s7], [sflag:s22] =	dma.local [hbm:s5], s20  }
0x9e: {  	_ =	swait.ge [sflag:s22], s20  }
0x9f: {  	s4 =	ssub.s32 $0x0, s20;
	[sflag:s22] =	ssyncset.done $0x0  }
0xa0: {  	[sflag:s22] =	ssyncadd.s32 s4;
	_ =	sdelay $0x1  }
0xa1: {  	s23 =	simm.s32 $0x1B8B  }
0xa2: {  	_ =	swait.ge [sflag:s23], $0x1  }
0xa3: {  	[sflag:s23] =	ssyncset.done $0x0  }
0xa4: {  	s25 =	simm.s32 $0x1B8E;
	s24 =	sld [smem:$0x3FFE];
	[sflag:s23] =	ssyncadd.s32 $0xFFFFFFFF  }
0xa5: {  	s26 =	simm.s32 $execute0_lowered;
	[smem:$0x3FD2] =	sst s25  }
0xa6: {  	s5 =	sshll.u32 s26, $0x1;
	_ =	strace $0x80000046;
	[dreg:$0x1] =	wrdreg $0xFFFFFFFF  }
0xa7: {  	s28 =	simm.s32 $_size_execute0_lowered;
	s3 =	sadd.s32 s3, s5;
	[dreg:$0x0] =	wrdreg $0x0  }
0xa8: {  	s5 =	sshll.u32 s28, $0x1;
	[dreg:$0x2] =	wrdreg s3  }
0xa9: {  	[dreg:$0x3] =	wrdreg s5  }
0xaa: {  	[dreg:$0x4] =	wrdreg $0xC0  }
0xab: {  	_ =	task [dreg:s7], $0x5FFFF  }
0xac: {  	[dreg:$0x1] =	wrdreg $0xFFFFFFFF  }
0xad: {  	[dreg:$0x0] =	wrdreg $0x60  }
0xae: {  	[dreg:$0x2] =	wrdreg s2  }
0xaf: {  	[dreg:$0x3] =	wrdreg s24  }
0xb0: {  	[dreg:$0x4] =	wrdreg $0x50800  }
0xb1: {  	[dreg:$0x5] =	wrdreg $0x9  }
0xb2: {  	_ =	task.clear_ibuf [dreg:s7], $0x6FFFF;
	_ =	strace $0x90000046  }
0xb3: {  	s29 =	simm.s32 $0x9;
	_ =	strace $0x80000048  }
0xb4: {  	_ =	swait.ge [sflag:s29], $0x1  }
0xb5: {  	[sflag:s29] =	ssyncadd.s32 $0xFFFFFFFF  }
0xb6: {  	_ =	strace $0x90000048  }
0xb7: {  	_ =	sfence  }
0xb8: {  	s30 =	sld [smem:$0x0];
	_ =	sdelay $0x2  }
0xb9: {  	s31 =	sshll.u32 s1, $0xD;
	s1 =	sshrl.u32 s1, $0x2  }
0xba: {  	s3 =	sand.u32 $0x4000, s31;
	s1 =	sadd.s32 s1, s30  }
0xbb: {  	s0 =	sor.u32 s3, s0;
	s1 =	sshll.u32 s1, $0x11  }
0xbc: {  	s0 =	sor.u32 s1, s0  }
0xbd: {  	s0 =	sadd.s32 $0x8F2B, s0  }
0xbe: {  	[sflag:s0] =	ssyncadd.remote.s32 $0x1  }
0xbf: {  	_ =	sfence.sel $0xFFFF  }
0xc0: {  	[dreg:$0x0] =	wrdreg $0xFFFFFFFF;
	(pc) =	sbr.abs _section_cstart, $3  }
0xc1: {  	[dreg:$0x1] =	wrdreg $0xFFFFFFFF  }
0xc2: {  	_ =	task.clear_ibuf [dreg:s7], $0x2FFFF;
	_ =	strace $0x9FFFFFFF  }
0xc3: {  	(tm) =	ssettm $0x7FFFFFFF  }
tec
execute0_lowered:
.L_overlay_start_1:
0x0: {  	(tag) =	ssettag $0x1  }
0x1: {  	s6 =	rddreg [dreg:$0x0]  }
0x2: {  	s4 =	rddreg [dreg:$0x1]  }
0x3: {  	s1 =	rddreg [dreg:$0x2]  }
0x4: {  	s3 =	srdreg.scid;
	s0 =	rddreg [dreg:$0x3];
	s2 =	simm.s32 $0x0  }
0x5: {  	s30 =	stileid.u32;
	s12 =	simm.s32 $0x0;
	s5 =	sand.u32 $0x1, s3  }
0x6: {  	[smem:$0x7FF] =	sst s2;
	s8 =	sadd.s32 $0x8200, s4;
	s11 =	smul.u32 $0x500, s30  }
0x7: {  	s3 =	sadd.s32 $0xD200, s4;
	s7 =	smul.u32 $0x500, s5;
	s9 =	ssub.s32 $0x2, s5  }
0x8: {  	_ =	strace $0x80000047;
	p0 =	seq.s32 s5, $0x1;
	s10 =	sshrl.u32 s9, $0x1  }
0x9: {  	s6 =	smov.u32 @p0 s8;
	p0 =	sne.s32 s30, $0x0;
	s8 =	simm.s32 $0x2800  }
0xa: {  	v0 =	vlaneseq.u32;
	s4 =	sadd.s32 s7, s4;
	s31 =	ssub.s32 s9, s10;
	s6 =	sadd.s32 s6, s11  }
0xb: {  	v5 =	vimm.f32 $1.000000000e+00;
	v1 =	vor.u32 $0x10, v0;
	s7 =	simm.s32 $0x1;
	s9 =	sshrl.u32 @!p0 s1, $0x3;
	s10 =	simm.s32 $0x50  }
0xc: {  	v2 =	vor.u32 $0x20, v0;
	v3 =	vor.u32 $0x30, v0;
	v4 =	vor.u32 $0x40, v0;
	s11 =	simm.s32 $0x5000;
	s4 =	sadd.s32 $0xFA00, s4;
	s5 =	smax.u32 s31, $0x1  }
.LBB2_1:
0xd: {  	[tilespmem:s2], [sflag:$0x1] =	stream.linear.gather [hbm4b:s6+s2], $0x2800, $0x38;
	[tilespmem:$0x5300] =	vst v63  }
0xe: {  	_ =	swait.ge [sflag:s7], $0x2800  }
0xf: {  	[sflag:s7] =	ssyncset.done $0x0  }
0x10: {  	[sflag:s7] =	ssyncadd.s32 $0xFFFFD800  }
0x11: {  	[tilespmem:s8], [sflag:$0x1] =	stream.linear.gather [hbm4b:s3+s2], $0x2800, $0x38;
	[tilespmem:$0x5300] =	vst v63  }
0x12: {  	_ =	swait.ge [sflag:s7], $0x2800  }
0x13: {  	[sflag:s7] =	ssyncset.done $0x0  }
0x14: {  	s13 =	simm.s32 @!p0 $0x1C01;
	[sflag:s7] =	ssyncadd.s32 $0xFFFFD800  }
0x15: {  	[spmem:s9], [sflag:s13] =	dma.local @!p0 [hbm:s3], $0x500  }
0x16: {  	s13 =	simm.s32 @!p0 $0x1  }
0x17: {  	_ =	swait.ge @!p0 [sflag:s13], $0x500  }
0x18: {  	[sflag:s13] =	ssyncset.done @!p0 $0x0  }
0x19: {  	[sflag:s13] =	ssyncadd.s32 @!p0 $0xFFFFFB00  }
0x1a: {  	[tilespmem:$0x5000] =	vst v0  }
0x1b: {  	[tilespmem:$0x5010] =	vst v1  }
0x1c: {  	[tilespmem:$0x5020] =	vst v2  }
0x1d: {  	[tilespmem:$0x5030] =	vst v3  }
0x1e: {  	s13 =	simm.s32 $0x1C0;
	[tilespmem:$0x5040] =	vst v4  }
.LBB2_2:
0x1f: {  	s14 =	sshra.s32 s13, $0x2  }
0x20: {  	v6 =	vld [tilespmem:s14+$0xFFFFFF90];
	_ =	sdelay $0x7  }
0x21: {  	[tilespmem:v6+s8+$0x0] =	vst.idx.add.f32.msk $0xffff, v5  }
0x22: {  	v6 =	vld [tilespmem:s14+$0xFFFFFFA0];
	_ =	sdelay $0x7  }
0x23: {  	[tilespmem:v6+s8+$0x0] =	vst.idx.add.f32.msk $0xffff, v5  }
0x24: {  	v6 =	vld [tilespmem:s14+$0xFFFFFFB0];
	_ =	sdelay $0x7  }
0x25: {  	[tilespmem:v6+s8+$0x0] =	vst.idx.add.f32.msk $0xffff, v5  }
0x26: {  	v6 =	vld [tilespmem:s14+$0xFFFFFFC0];
	_ =	sdelay $0x7  }
0x27: {  	[tilespmem:v6+s8+$0x0] =	vst.idx.add.f32.msk $0xffff, v5  }
0x28: {  	v6 =	vld [tilespmem:s14+$0xFFFFFFD0];
	_ =	sdelay $0x7  }
0x29: {  	[tilespmem:v6+s8+$0x0] =	vst.idx.add.f32.msk $0xffff, v5  }
0x2a: {  	v6 =	vld [tilespmem:s14+$0xFFFFFFE0];
	_ =	sdelay $0x7  }
0x2b: {  	[tilespmem:v6+s8+$0x0] =	vst.idx.add.f32.msk $0xffff, v5  }
0x2c: {  	v6 =	vld [tilespmem:s14+$0xFFFFFFF0];
	_ =	sdelay $0x7  }
0x2d: {  	[tilespmem:v6+s8+$0x0] =	vst.idx.add.f32.msk $0xffff, v5  }
0x2e: {  	v6 =	vld [tilespmem:s14+$0x0];
	_ =	sdelay $0x2  }
0x2f: {  	p1 =	sne.s32 s13, $0x9FC0  }
.Ltmp0:
0x30: {  	_ = 	snop;
	(pc) =	sbr.rel @p1 .LBB2_2-.Ltmp0, $2  }
0x31: {  	_ =	sdelay $0x2  }
0x32: {  	s13 =	sadd.s32 $0x200, s13;
	[tilespmem:v6+s8+$0x0] =	vst.idx.add.f32.msk $0xffff, v5  }
0x33: {  	[bflag:$0x0] =	sbarrier.arrive $0xFFFF  }
0x34: {  	[spmem:s1] =	stream.indirect.scatter.add.f32 [tilespmem:s8], [sflag:$0x1], $0x80, s11, s10, $0xb8;
	[tilespmem:$0x5300] =	vst v63  }
0x35: {  	_ =	swait.ge [sflag:s7], $0x2800  }
0x36: {  	[sflag:s7] =	ssyncset.done $0x0  }
0x37: {  	s12 =	sadd.s32 $0x1, s12;
	[sflag:s7] =	ssyncadd.s32 $0xFFFFD800  }
0x38: {  	s13 =	simm.s32 @!p0 $0x1C01;
	p1 =	sne.s32 s12, s5;
	[bflag:$0x0] =	sbarrier.arrive $0xFFFF  }
0x39: {  	[hbm:s4], [sflag:s13] =	dma.local @!p0 [spmem:s9], $0x500  }
.Ltmp1:
0x3a: {  	_ = 	snop;
	(pc) =	sbr.rel @p1 .LBB2_1-.Ltmp1, $4  }
0x3b: {  	s13 =	simm.s32 @!p0 $0x1  }
0x3c: {  	_ =	swait.ge @!p0 [sflag:s13], $0x500  }
0x3d: {  	[sflag:s13] =	ssyncset.done @!p0 $0x0  }
0x3e: {  	[sflag:s13] =	ssyncadd.s32 @!p0 $0xFFFFFB00  }
0x3f: {  	_ =	sfence.sel $0x180000  }
0x40: {  	[bflag:$0x0] =	sbarrier.arrive $0xFFFF  }
0x41: {  	_ =	strace $0x90000047  }
0x42: {  	s0 =	sadd.s32 @!p0 $0x100000, s0;
	[bflag:$0x2] =	sbarrier.arrive $0xFFFF  }
0x43: {  	[sflag:s0] =	ssyncadd.tile.s32 @!p0 $0x1;
	_ =	shalt  }
.Lfunc_end2:
_tile_overlayer_lowered:
.L_overlay_start_2:
0x44: {  	(tag) =	ssettag $0x2  }
0x45: {  	s0 =	rddreg [dreg:$0x0];
	s2 =	stileid.u32  }
0x46: {  	s1 =	rddreg [dreg:$0x1];
	p0 =	sne.s32 s2, $0x0  }
0x47: {  	s3 =	rddreg [dreg:$0x2];
	[bflag:$0x3] =	sbarrier.arrive $0xFFFF;
	s2 =	simm.s32 @!p0 $0x1C01  }
0x48: {  	[timem:s3], [sflag:s2] =	dma.local @!p0 [hbm:s0], s1  }
0x49: {  	s0 =	simm.s32 @!p0 $0x1  }
0x4a: {  	_ =	swait.ge @!p0 [sflag:s0], s1  }
0x4b: {  	s1 =	ssub.s32 @!p0 $0x0, s1;
	[sflag:s0] =	ssyncset.done @!p0 $0x0  }
0x4c: {  	[sflag:s0] =	ssyncadd.s32 @!p0 s1  }
0x4d: {  	[bflag:$0x3] =	sbarrier.arrive $0xFFFF  }
0x4e: {  	_ =	shalt  }

</sc_bundles>
